<compile_context>
chip_gen: v7x
topology: tpu7x:2x2x1
jax: 0.10.2.dev20260603
libtpu: 0.0.44.dev20260713+nightly
codegen_flags: <defaults>
</compile_context>

<pallas_src>
import functools

import jax
import jax.numpy as jnp
from jax import lax
from jax.experimental import pallas as pl
from jax.experimental.pallas import tpu as pltpu
from jax.experimental.pallas import tpu_sc as plsc

_VOCAB = 100000
_EMBED = 32
_CTX = 20
_BATCH = 1024

_NC = 2
_NS = 16
_NW = _NC * _NS
_BPW = _BATCH // _NW

_LANES = 16


_ROW_PAD = 128
_DT_BLK = 2048


def _dt_body(t_ref, o_ref):
    eye = (
        lax.broadcasted_iota(jnp.int32, (_EMBED, _EMBED), 0)
        == lax.broadcasted_iota(jnp.int32, (_EMBED, _EMBED), 1)
    ).astype(jnp.float32)
    xt = lax.dot_general(
        t_ref[...], eye, (((0,), (0,)), ((), ())),
        preferred_element_type=jnp.float32,
        precision=lax.Precision.HIGHEST,
    )
    o_ref[...] = jnp.concatenate([xt, xt, xt, xt], axis=1)


def _detile_tc(table_t):
    return pl.pallas_call(
        _dt_body,
        grid=(pl.cdiv(_VOCAB, _DT_BLK),),
        in_specs=[pl.BlockSpec((_EMBED, _DT_BLK), lambda j: (0, j))],
        out_specs=pl.BlockSpec((_DT_BLK, _ROW_PAD), lambda j: (j, 0)),
        out_shape=jax.ShapeDtypeStruct((_VOCAB, _ROW_PAD), jnp.float32),
    )(table_t)


def _gather_sum_sc(inputs, emb_table):
    mesh = plsc.VectorSubcoreMesh(core_axis_name="c", subcore_axis_name="s")

    @functools.partial(
        pl.kernel,
        mesh=mesh,
        out_type=jax.ShapeDtypeStruct((_BATCH, _EMBED), jnp.float32),
        compiler_params=pltpu.CompilerParams(use_tc_tiling_on_sc=False),
        scratch_types=[
            pltpu.VMEM((_CTX, _BPW), jnp.int32),
            pltpu.VMEM((_CTX, _BPW, _ROW_PAD), jnp.float32),
            pltpu.VMEM((_BPW, _EMBED), jnp.float32),
            pltpu.SemaphoreType.DMA,
        ],
    )
    def k(idx_hbm, table_hbm, out_hbm, idx_v, rows_v, acc_v, sem):
        wid = lax.axis_index("s") * _NC + lax.axis_index("c")
        base = wid * _BPW
        idx_copies = [
            pltpu.async_copy(
                idx_hbm.at[c, pl.ds(base, _BPW)], idx_v.at[c], sem
            )
            for c in range(_CTX)
        ]
        for cp in idx_copies:
            cp.wait()
        copies = [
            pltpu.async_copy(table_hbm.at[idx_v.at[c]], rows_v.at[c], sem)
            for c in range(_CTX)
        ]
        for cp in copies:
            cp.wait()

        def body(i, carry):
            for h in range(_EMBED // _LANES):
                sl = pl.ds(h * _LANES, _LANES)
                a = rows_v[0, i, sl]
                for c in range(1, _CTX):
                    a = a + rows_v[c, i, sl]
                acc_v[i, sl] = a
            return carry

        lax.fori_loop(0, _BPW, body, 0)
        pltpu.sync_copy(acc_v, out_hbm.at[pl.ds(base, _BPW)])

    return k(inputs, emb_table)


_V_BLK = 2048


def _mm_body(wt_ref, s_ref, b_ref, o_ref):
    prod = lax.dot_general(
        wt_ref[...], s_ref[...], (((0,), (1,)), ((), ())),
        preferred_element_type=jnp.float32,
    )
    o_ref[...] = prod + jnp.transpose(b_ref[...], (1, 0))


def _project_tc(summed, Wt, brow):
    return pl.pallas_call(
        _mm_body,
        grid=(pl.cdiv(_VOCAB, _V_BLK),),
        in_specs=[
            pl.BlockSpec((_EMBED, _V_BLK), lambda j: (0, j)),
            pl.BlockSpec((_BATCH, _EMBED), lambda j: (0, 0)),
            pl.BlockSpec((1, _V_BLK), lambda j: (0, j)),
        ],
        out_specs=pl.BlockSpec((_V_BLK, _BATCH), lambda j: (j, 0)),
        out_shape=jax.ShapeDtypeStruct((_VOCAB, _BATCH), jnp.float32),
    )(Wt, summed, brow)


def kernel(inputs, emb_table, W, b):
    table_lin = _detile_tc(emb_table.T)
    summed = _gather_sum_sc(inputs.astype(jnp.int32), table_lin)
    out_t = _project_tc(summed, W.T, b.reshape(1, _VOCAB))
    return out_t.T

# --- scband reference (transcript-rebuilt; emitter-appended) ---
"""Pipeline reference for scband-cbowmodel-31430570672738 (READ-ONLY COPY).

The authoritative reference and input builder live on the scoring server;
editing this copy changes nothing except your own understanding.
"""

import jax, jax.numpy as jnp
import numpy as np

VOCAB = 100000
EMBED_DIM = 32
CTX = 20
BATCH = 1024


def setup_inputs(seed: int = 0) -> dict:
    key = jax.random.key(seed)
    k_idx, k_emb, k_w, k_b = jax.random.split(key, 4)
    inputs = jax.random.randint(k_idx, (CTX, BATCH), 0, VOCAB, dtype=jnp.int64 if jax.config.jax_enable_x64 else jnp.int32)
    emb_table = jax.random.normal(k_emb, (VOCAB, EMBED_DIM), dtype=jnp.float32) * 0.02
    W = jax.random.normal(k_w, (VOCAB, EMBED_DIM), dtype=jnp.float32) * 0.02
    b = jax.random.normal(k_b, (VOCAB,), dtype=jnp.float32) * 0.02
    return {"inputs": inputs, "emb_table": emb_table, "W": W, "b": b}


def reference(inputs, emb_table, W, b):
    # embeds = self.embeddings(inputs)  -> gather
    embeds = jnp.take(emb_table, inputs, axis=0)  # [CTX, BATCH, EMBED_DIM]
    # summed_embeds = torch.sum(embeds, dim=0)
    summed = jnp.sum(embeds, axis=0)  # [BATCH, EMBED_DIM]
    # out = self.linear(summed_embeds)  (torch Linear: x @ W.T + b)
    out = summed @ W.T + b  # [BATCH, VOCAB]
    return out

if __name__ == "__main__":
    import jax
    _d = setup_inputs()
    print(jax.jit(kernel)(*tuple(_d.values())))

</pallas_src>

<mosaic_0001>
#map = affine_map<(d0, d1) -> (0, 0)>
module attributes {stable_mosaic.version = 14 : i64} {
  func.func @k(%arg0: i32, %arg1: i32, %arg2: memref<20x1024xi32, #tpu.memory_space<hbm>>, %arg3: memref<100000x128xf32, #tpu.memory_space<hbm>>, %arg4: memref<1024x32xf32, #tpu.memory_space<hbm>>, %arg5: memref<20x32xi32, #tpu.memory_space<vmem>>, %arg6: memref<20x32x128xf32, #tpu.memory_space<vmem>>, %arg7: memref<32x32xf32, #tpu.memory_space<vmem>>, %arg8: memref<!tpu.dma_semaphore, #tpu.memory_space<semaphore_mem>>) attributes {dimension_semantics = [#tpu.dimension_semantics<core_parallel>, #tpu.dimension_semantics<subcore_parallel>], iteration_bounds = array<i64: 2, 16>, scalar_prefetch = 0 : i64, scratch_operands = 4 : i64, tpu.core_type = #tpu.core_type<sc_vector_subcore>, window_params = [{transform_indices = #map}, {transform_indices = #map}, {transform_indices = #map}]} {
    %mul3A = arith.constant 2 : i32
    %mul3A_0 = arith.muli %arg1, %mul3A : i32
    %add3A = arith.addi %mul3A_0, %arg0 : i32
    %mul3A_1 = arith.constant 32 : i32
    %mul3A_2 = arith.muli %add3A, %mul3A_1 : i32
    %dma_start3A = arith.constant 0 : i32
    %dma_start3A_3 = arith.constant 0 : i32
    %dma_start3A_4 = arith.constant 0 : i32
    %dma_start3A_5 = tpu.memref_slice %arg5[%dma_start3A_3, %dma_start3A_4] : memref<20x32xi32, #tpu.memory_space<vmem>> -> memref<1x32xi32, #tpu.memory_space<vmem>>
    %dma_start3A_6 = tpu.memref_squeeze %dma_start3A_5 : memref<1x32xi32, #tpu.memory_space<vmem>> -> memref<32xi32, #tpu.memory_space<vmem>>
    %dma_start3A_7 = tpu.memref_slice %arg2[%dma_start3A, %mul3A_2] : memref<20x1024xi32, #tpu.memory_space<hbm>> -> memref<1x32xi32, #tpu.memory_space<hbm>>
    %dma_start3A_8 = tpu.memref_squeeze %dma_start3A_7 : memref<1x32xi32, #tpu.memory_space<hbm>> -> memref<32xi32, #tpu.memory_space<hbm>>
    %dma_start3A_9 = arith.constant 0 : i32
    %dma_start3A_10 = tpu.memref_slice %arg5[%dma_start3A_3, %dma_start3A_9] : memref<20x32xi32, #tpu.memory_space<vmem>> -> memref<1x32xi32, #tpu.memory_space<vmem>>
    %dma_start3A_11 = tpu.memref_squeeze %dma_start3A_10 : memref<1x32xi32, #tpu.memory_space<vmem>> -> memref<32xi32, #tpu.memory_space<vmem>>
    %dma_start3A_12 = tpu.memref_slice %arg2[%dma_start3A, %mul3A_2] : memref<20x1024xi32, #tpu.memory_space<hbm>> -> memref<1x32xi32, #tpu.memory_space<hbm>>
    %dma_start3A_13 = tpu.memref_squeeze %dma_start3A_12 : memref<1x32xi32, #tpu.memory_space<hbm>> -> memref<32xi32, #tpu.memory_space<hbm>>
    tpu.enqueue_dma source(%dma_start3A_13 : memref<32xi32, #tpu.memory_space<hbm>>) target(%dma_start3A_11 : memref<32xi32, #tpu.memory_space<vmem>>) target_semaphore(%arg8 : memref<!tpu.dma_semaphore, #tpu.memory_space<semaphore_mem>>)
    %dma_start3A_14 = arith.constant 1 : i32
    %dma_start3A_15 = arith.constant 1 : i32
    %dma_start3A_16 = arith.constant 0 : i32
    %dma_start3A_17 = tpu.memref_slice %arg5[%dma_start3A_15, %dma_start3A_16] : memref<20x32xi32, #tpu.memory_space<vmem>> -> memref<1x32xi32, #tpu.memory_space<vmem>>
    %dma_start3A_18 = tpu.memref_squeeze %dma_start3A_17 : memref<1x32xi32, #tpu.memory_space<vmem>> -> memref<32xi32, #tpu.memory_space<vmem>>
    %dma_start3A_19 = tpu.memref_slice %arg2[%dma_start3A_14, %mul3A_2] : memref<20x1024xi32, #tpu.memory_space<hbm>> -> memref<1x32xi32, #tpu.memory_space<hbm>>
    %dma_start3A_20 = tpu.memref_squeeze %dma_start3A_19 : memref<1x32xi32, #tpu.memory_space<hbm>> -> memref<32xi32, #tpu.memory_space<hbm>>
    %dma_start3A_21 = arith.constant 0 : i32
    %dma_start3A_22 = tpu.memref_slice %arg5[%dma_start3A_15, %dma_start3A_21] : memref<20x32xi32, #tpu.memory_space<vmem>> -> memref<1x32xi32, #tpu.memory_space<vmem>>
    %dma_start3A_23 = tpu.memref_squeeze %dma_start3A_22 : memref<1x32xi32, #tpu.memory_space<vmem>> -> memref<32xi32, #tpu.memory_space<vmem>>
    %dma_start3A_24 = tpu.memref_slice %arg2[%dma_start3A_14, %mul3A_2] : memref<20x1024xi32, #tpu.memory_space<hbm>> -> memref<1x32xi32, #tpu.memory_space<hbm>>
    %dma_start3A_25 = tpu.memref_squeeze %dma_start3A_24 : memref<1x32xi32, #tpu.memory_space<hbm>> -> memref<32xi32, #tpu.memory_space<hbm>>
    tpu.enqueue_dma source(%dma_start3A_25 : memref<32xi32, #tpu.memory_space<hbm>>) target(%dma_start3A_23 : memref<32xi32, #tpu.memory_space<vmem>>) target_semaphore(%arg8 : memref<!tpu.dma_semaphore, #tpu.memory_space<semaphore_mem>>)
    %dma_start3A_26 = arith.constant 2 : i32
    %dma_start3A_27 = arith.constant 2 : i32
    %dma_start3A_28 = arith.constant 0 : i32
    %dma_start3A_29 = tpu.memref_slice %arg5[%dma_start3A_27, %dma_start3A_28] : memref<20x32xi32, #tpu.memory_space<vmem>> -> memref<1x32xi32, #tpu.memory_space<vmem>>
    %dma_start3A_30 = tpu.memref_squeeze %dma_start3A_29 : memref<1x32xi32, #tpu.memory_space<vmem>> -> memref<32xi32, #tpu.memory_space<vmem>>
    %dma_start3A_31 = tpu.memref_slice %arg2[%dma_start3A_26, %mul3A_2] : memref<20x1024xi32, #tpu.memory_space<hbm>> -> memref<1x32xi32, #tpu.memory_space<hbm>>
    %dma_start3A_32 = tpu.memref_squeeze %dma_start3A_31 : memref<1x32xi32, #tpu.memory_space<hbm>> -> memref<32xi32, #tpu.memory_space<hbm>>
    %dma_start3A_33 = arith.constant 0 : i32
    %dma_start3A_34 = tpu.memref_slice %arg5[%dma_start3A_27, %dma_start3A_33] : memref<20x32xi32, #tpu.memory_space<vmem>> -> memref<1x32xi32, #tpu.memory_space<vmem>>
    %dma_start3A_35 = tpu.memref_squeeze %dma_start3A_34 : memref<1x32xi32, #tpu.memory_space<vmem>> -> memref<32xi32, #tpu.memory_space<vmem>>
    %dma_start3A_36 = tpu.memref_slice %arg2[%dma_start3A_26, %mul3A_2] : memref<20x1024xi32, #tpu.memory_space<hbm>> -> memref<1x32xi32, #tpu.memory_space<hbm>>
    %dma_start3A_37 = tpu.memref_squeeze %dma_start3A_36 : memref<1x32xi32, #tpu.memory_space<hbm>> -> memref<32xi32, #tpu.memory_space<hbm>>
    tpu.enqueue_dma source(%dma_start3A_37 : memref<32xi32, #tpu.memory_space<hbm>>) target(%dma_start3A_35 : memref<32xi32, #tpu.memory_space<vmem>>) target_semaphore(%arg8 : memref<!tpu.dma_semaphore, #tpu.memory_space<semaphore_mem>>)
    %dma_start3A_38 = arith.constant 3 : i32
    %dma_start3A_39 = arith.constant 3 : i32
    %dma_start3A_40 = arith.constant 0 : i32
    %dma_start3A_41 = tpu.memref_slice %arg5[%dma_start3A_39, %dma_start3A_40] : memref<20x32xi32, #tpu.memory_space<vmem>> -> memref<1x32xi32, #tpu.memory_space<vmem>>
    %dma_start3A_42 = tpu.memref_squeeze %dma_start3A_41 : memref<1x32xi32, #tpu.memory_space<vmem>> -> memref<32xi32, #tpu.memory_space<vmem>>
    %dma_start3A_43 = tpu.memref_slice %arg2[%dma_start3A_38, %mul3A_2] : memref<20x1024xi32, #tpu.memory_space<hbm>> -> memref<1x32xi32, #tpu.memory_space<hbm>>
    %dma_start3A_44 = tpu.memref_squeeze %dma_start3A_43 : memref<1x32xi32, #tpu.memory_space<hbm>> -> memref<32xi32, #tpu.memory_space<hbm>>
    %dma_start3A_45 = arith.constant 0 : i32
    %dma_start3A_46 = tpu.memref_slice %arg5[%dma_start3A_39, %dma_start3A_45] : memref<20x32xi32, #tpu.memory_space<vmem>> -> memref<1x32xi32, #tpu.memory_space<vmem>>
    %dma_start3A_47 = tpu.memref_squeeze %dma_start3A_46 : memref<1x32xi32, #tpu.memory_space<vmem>> -> memref<32xi32, #tpu.memory_space<vmem>>
    %dma_start3A_48 = tpu.memref_slice %arg2[%dma_start3A_38, %mul3A_2] : memref<20x1024xi32, #tpu.memory_space<hbm>> -> memref<1x32xi32, #tpu.memory_space<hbm>>
    %dma_start3A_49 = tpu.memref_squeeze %dma_start3A_48 : memref<1x32xi32, #tpu.memory_space<hbm>> -> memref<32xi32, #tpu.memory_space<hbm>>
    tpu.enqueue_dma source(%dma_start3A_49 : memref<32xi32, #tpu.memory_space<hbm>>) target(%dma_start3A_47 : memref<32xi32, #tpu.memory_space<vmem>>) target_semaphore(%arg8 : memref<!tpu.dma_semaphore, #tpu.memory_space<semaphore_mem>>)
    %dma_start3A_50 = arith.constant 4 : i32
    %dma_start3A_51 = arith.constant 4 : i32
    %dma_start3A_52 = arith.constant 0 : i32
    %dma_start3A_53 = tpu.memref_slice %arg5[%dma_start3A_51, %dma_start3A_52] : memref<20x32xi32, #tpu.memory_space<vmem>> -> memref<1x32xi32, #tpu.memory_space<vmem>>
    %dma_start3A_54 = tpu.memref_squeeze %dma_start3A_53 : memref<1x32xi32, #tpu.memory_space<vmem>> -> memref<32xi32, #tpu.memory_space<vmem>>
    %dma_start3A_55 = tpu.memref_slice %arg2[%dma_start3A_50, %mul3A_2] : memref<20x1024xi32, #tpu.memory_space<hbm>> -> memref<1x32xi32, #tpu.memory_space<hbm>>
    %dma_start3A_56 = tpu.memref_squeeze %dma_start3A_55 : memref<1x32xi32, #tpu.memory_space<hbm>> -> memref<32xi32, #tpu.memory_space<hbm>>
    %dma_start3A_57 = arith.constant 0 : i32
    %dma_start3A_58 = tpu.memref_slice %arg5[%dma_start3A_51, %dma_start3A_57] : memref<20x32xi32, #tpu.memory_space<vmem>> -> memref<1x32xi32, #tpu.memory_space<vmem>>
    %dma_start3A_59 = tpu.memref_squeeze %dma_start3A_58 : memref<1x32xi32, #tpu.memory_space<vmem>> -> memref<32xi32, #tpu.memory_space<vmem>>
    %dma_start3A_60 = tpu.memref_slice %arg2[%dma_start3A_50, %mul3A_2] : memref<20x1024xi32, #tpu.memory_space<hbm>> -> memref<1x32xi32, #tpu.memory_space<hbm>>
    %dma_start3A_61 = tpu.memref_squeeze %dma_start3A_60 : memref<1x32xi32, #tpu.memory_space<hbm>> -> memref<32xi32, #tpu.memory_space<hbm>>
    tpu.enqueue_dma source(%dma_start3A_61 : memref<32xi32, #tpu.memory_space<hbm>>) target(%dma_start3A_59 : memref<32xi32, #tpu.memory_space<vmem>>) target_semaphore(%arg8 : memref<!tpu.dma_semaphore, #tpu.memory_space<semaphore_mem>>)
    %dma_start3A_62 = arith.constant 5 : i32
    %dma_start3A_63 = arith.constant 5 : i32
    %dma_start3A_64 = arith.constant 0 : i32
    %dma_start3A_65 = tpu.memref_slice %arg5[%dma_start3A_63, %dma_start3A_64] : memref<20x32xi32, #tpu.memory_space<vmem>> -> memref<1x32xi32, #tpu.memory_space<vmem>>
    %dma_start3A_66 = tpu.memref_squeeze %dma_start3A_65 : memref<1x32xi32, #tpu.memory_space<vmem>> -> memref<32xi32, #tpu.memory_space<vmem>>
    %dma_start3A_67 = tpu.memref_slice %arg2[%dma_start3A_62, %mul3A_2] : memref<20x1024xi32, #tpu.memory_space<hbm>> -> memref<1x32xi32, #tpu.memory_space<hbm>>
    %dma_start3A_68 = tpu.memref_squeeze %dma_start3A_67 : memref<1x32xi32, #tpu.memory_space<hbm>> -> memref<32xi32, #tpu.memory_space<hbm>>
    %dma_start3A_69 = arith.constant 0 : i32
    %dma_start3A_70 = tpu.memref_slice %arg5[%dma_start3A_63, %dma_start3A_69] : memref<20x32xi32, #tpu.memory_space<vmem>> -> memref<1x32xi32, #tpu.memory_space<vmem>>
    %dma_start3A_71 = tpu.memref_squeeze %dma_start3A_70 : memref<1x32xi32, #tpu.memory_space<vmem>> -> memref<32xi32, #tpu.memory_space<vmem>>
    %dma_start3A_72 = tpu.memref_slice %arg2[%dma_start3A_62, %mul3A_2] : memref<20x1024xi32, #tpu.memory_space<hbm>> -> memref<1x32xi32, #tpu.memory_space<hbm>>
    %dma_start3A_73 = tpu.memref_squeeze %dma_start3A_72 : memref<1x32xi32, #tpu.memory_space<hbm>> -> memref<32xi32, #tpu.memory_space<hbm>>
    tpu.enqueue_dma source(%dma_start3A_73 : memref<32xi32, #tpu.memory_space<hbm>>) target(%dma_start3A_71 : memref<32xi32, #tpu.memory_space<vmem>>) target_semaphore(%arg8 : memref<!tpu.dma_semaphore, #tpu.memory_space<semaphore_mem>>)
    %dma_start3A_74 = arith.constant 6 : i32
    %dma_start3A_75 = arith.constant 6 : i32
    %dma_start3A_76 = arith.constant 0 : i32
    %dma_start3A_77 = tpu.memref_slice %arg5[%dma_start3A_75, %dma_start3A_76] : memref<20x32xi32, #tpu.memory_space<vmem>> -> memref<1x32xi32, #tpu.memory_space<vmem>>
    %dma_start3A_78 = tpu.memref_squeeze %dma_start3A_77 : memref<1x32xi32, #tpu.memory_space<vmem>> -> memref<32xi32, #tpu.memory_space<vmem>>
    %dma_start3A_79 = tpu.memref_slice %arg2[%dma_start3A_74, %mul3A_2] : memref<20x1024xi32, #tpu.memory_space<hbm>> -> memref<1x32xi32, #tpu.memory_space<hbm>>
    %dma_start3A_80 = tpu.memref_squeeze %dma_start3A_79 : memref<1x32xi32, #tpu.memory_space<hbm>> -> memref<32xi32, #tpu.memory_space<hbm>>
    %dma_start3A_81 = arith.constant 0 : i32
    %dma_start3A_82 = tpu.memref_slice %arg5[%dma_start3A_75, %dma_start3A_81] : memref<20x32xi32, #tpu.memory_space<vmem>> -> memref<1x32xi32, #tpu.memory_space<vmem>>
    %dma_start3A_83 = tpu.memref_squeeze %dma_start3A_82 : memref<1x32xi32, #tpu.memory_space<vmem>> -> memref<32xi32, #tpu.memory_space<vmem>>
    %dma_start3A_84 = tpu.memref_slice %arg2[%dma_start3A_74, %mul3A_2] : memref<20x1024xi32, #tpu.memory_space<hbm>> -> memref<1x32xi32, #tpu.memory_space<hbm>>
    %dma_start3A_85 = tpu.memref_squeeze %dma_start3A_84 : memref<1x32xi32, #tpu.memory_space<hbm>> -> memref<32xi32, #tpu.memory_space<hbm>>
    tpu.enqueue_dma source(%dma_start3A_85 : memref<32xi32, #tpu.memory_space<hbm>>) target(%dma_start3A_83 : memref<32xi32, #tpu.memory_space<vmem>>) target_semaphore(%arg8 : memref<!tpu.dma_semaphore, #tpu.memory_space<semaphore_mem>>)
    %dma_start3A_86 = arith.constant 7 : i32
    %dma_start3A_87 = arith.constant 7 : i32
    %dma_start3A_88 = arith.constant 0 : i32
    %dma_start3A_89 = tpu.memref_slice %arg5[%dma_start3A_87, %dma_start3A_88] : memref<20x32xi32, #tpu.memory_space<vmem>> -> memref<1x32xi32, #tpu.memory_space<vmem>>
    %dma_start3A_90 = tpu.memref_squeeze %dma_start3A_89 : memref<1x32xi32, #tpu.memory_space<vmem>> -> memref<32xi32, #tpu.memory_space<vmem>>
    %dma_start3A_91 = tpu.memref_slice %arg2[%dma_start3A_86, %mul3A_2] : memref<20x1024xi32, #tpu.memory_space<hbm>> -> memref<1x32xi32, #tpu.memory_space<hbm>>
    %dma_start3A_92 = tpu.memref_squeeze %dma_start3A_91 : memref<1x32xi32, #tpu.memory_space<hbm>> -> memref<32xi32, #tpu.memory_space<hbm>>
    %dma_start3A_93 = arith.constant 0 : i32
    %dma_start3A_94 = tpu.memref_slice %arg5[%dma_start3A_87, %dma_start3A_93] : memref<20x32xi32, #tpu.memory_space<vmem>> -> memref<1x32xi32, #tpu.memory_space<vmem>>
    %dma_start3A_95 = tpu.memref_squeeze %dma_start3A_94 : memref<1x32xi32, #tpu.memory_space<vmem>> -> memref<32xi32, #tpu.memory_space<vmem>>
    %dma_start3A_96 = tpu.memref_slice %arg2[%dma_start3A_86, %mul3A_2] : memref<20x1024xi32, #tpu.memory_space<hbm>> -> memref<1x32xi32, #tpu.memory_space<hbm>>
    %dma_start3A_97 = tpu.memref_squeeze %dma_start3A_96 : memref<1x32xi32, #tpu.memory_space<hbm>> -> memref<32xi32, #tpu.memory_space<hbm>>
    tpu.enqueue_dma source(%dma_start3A_97 : memref<32xi32, #tpu.memory_space<hbm>>) target(%dma_start3A_95 : memref<32xi32, #tpu.memory_space<vmem>>) target_semaphore(%arg8 : memref<!tpu.dma_semaphore, #tpu.memory_space<semaphore_mem>>)
    %dma_start3A_98 = arith.constant 8 : i32
    %dma_start3A_99 = arith.constant 8 : i32
    %dma_start3A_100 = arith.constant 0 : i32
    %dma_start3A_101 = tpu.memref_slice %arg5[%dma_start3A_99, %dma_start3A_100] : memref<20x32xi32, #tpu.memory_space<vmem>> -> memref<1x32xi32, #tpu.memory_space<vmem>>
    %dma_start3A_102 = tpu.memref_squeeze %dma_start3A_101 : memref<1x32xi32, #tpu.memory_space<vmem>> -> memref<32xi32, #tpu.memory_space<vmem>>
    %dma_start3A_103 = tpu.memref_slice %arg2[%dma_start3A_98, %mul3A_2] : memref<20x1024xi32, #tpu.memory_space<hbm>> -> memref<1x32xi32, #tpu.memory_space<hbm>>
    %dma_start3A_104 = tpu.memref_squeeze %dma_start3A_103 : memref<1x32xi32, #tpu.memory_space<hbm>> -> memref<32xi32, #tpu.memory_space<hbm>>
    %dma_start3A_105 = arith.constant 0 : i32
    %dma_start3A_106 = tpu.memref_slice %arg5[%dma_start3A_99, %dma_start3A_105] : memref<20x32xi32, #tpu.memory_space<vmem>> -> memref<1x32xi32, #tpu.memory_space<vmem>>
    %dma_start3A_107 = tpu.memref_squeeze %dma_start3A_106 : memref<1x32xi32, #tpu.memory_space<vmem>> -> memref<32xi32, #tpu.memory_space<vmem>>
    %dma_start3A_108 = tpu.memref_slice %arg2[%dma_start3A_98, %mul3A_2] : memref<20x1024xi32, #tpu.memory_space<hbm>> -> memref<1x32xi32, #tpu.memory_space<hbm>>
    %dma_start3A_109 = tpu.memref_squeeze %dma_start3A_108 : memref<1x32xi32, #tpu.memory_space<hbm>> -> memref<32xi32, #tpu.memory_space<hbm>>
    tpu.enqueue_dma source(%dma_start3A_109 : memref<32xi32, #tpu.memory_space<hbm>>) target(%dma_start3A_107 : memref<32xi32, #tpu.memory_space<vmem>>) target_semaphore(%arg8 : memref<!tpu.dma_semaphore, #tpu.memory_space<semaphore_mem>>)
    %dma_start3A_110 = arith.constant 9 : i32
    %dma_start3A_111 = arith.constant 9 : i32
    %dma_start3A_112 = arith.constant 0 : i32
    %dma_start3A_113 = tpu.memref_slice %arg5[%dma_start3A_111, %dma_start3A_112] : memref<20x32xi32, #tpu.memory_space<vmem>> -> memref<1x32xi32, #tpu.memory_space<vmem>>
    %dma_start3A_114 = tpu.memref_squeeze %dma_start3A_113 : memref<1x32xi32, #tpu.memory_space<vmem>> -> memref<32xi32, #tpu.memory_space<vmem>>
    %dma_start3A_115 = tpu.memref_slice %arg2[%dma_start3A_110, %mul3A_2] : memref<20x1024xi32, #tpu.memory_space<hbm>> -> memref<1x32xi32, #tpu.memory_space<hbm>>
    %dma_start3A_116 = tpu.memref_squeeze %dma_start3A_115 : memref<1x32xi32, #tpu.memory_space<hbm>> -> memref<32xi32, #tpu.memory_space<hbm>>
    %dma_start3A_117 = arith.constant 0 : i32
    %dma_start3A_118 = tpu.memref_slice %arg5[%dma_start3A_111, %dma_start3A_117] : memref<20x32xi32, #tpu.memory_space<vmem>> -> memref<1x32xi32, #tpu.memory_space<vmem>>
    %dma_start3A_119 = tpu.memref_squeeze %dma_start3A_118 : memref<1x32xi32, #tpu.memory_space<vmem>> -> memref<32xi32, #tpu.memory_space<vmem>>
    %dma_start3A_120 = tpu.memref_slice %arg2[%dma_start3A_110, %mul3A_2] : memref<20x1024xi32, #tpu.memory_space<hbm>> -> memref<1x32xi32, #tpu.memory_space<hbm>>
    %dma_start3A_121 = tpu.memref_squeeze %dma_start3A_120 : memref<1x32xi32, #tpu.memory_space<hbm>> -> memref<32xi32, #tpu.memory_space<hbm>>
    tpu.enqueue_dma source(%dma_start3A_121 : memref<32xi32, #tpu.memory_space<hbm>>) target(%dma_start3A_119 : memref<32xi32, #tpu.memory_space<vmem>>) target_semaphore(%arg8 : memref<!tpu.dma_semaphore, #tpu.memory_space<semaphore_mem>>)
    %dma_start3A_122 = arith.constant 10 : i32
    %dma_start3A_123 = arith.constant 10 : i32
    %dma_start3A_124 = arith.constant 0 : i32
    %dma_start3A_125 = tpu.memref_slice %arg5[%dma_start3A_123, %dma_start3A_124] : memref<20x32xi32, #tpu.memory_space<vmem>> -> memref<1x32xi32, #tpu.memory_space<vmem>>
    %dma_start3A_126 = tpu.memref_squeeze %dma_start3A_125 : memref<1x32xi32, #tpu.memory_space<vmem>> -> memref<32xi32, #tpu.memory_space<vmem>>
    %dma_start3A_127 = tpu.memref_slice %arg2[%dma_start3A_122, %mul3A_2] : memref<20x1024xi32, #tpu.memory_space<hbm>> -> memref<1x32xi32, #tpu.memory_space<hbm>>
    %dma_start3A_128 = tpu.memref_squeeze %dma_start3A_127 : memref<1x32xi32, #tpu.memory_space<hbm>> -> memref<32xi32, #tpu.memory_space<hbm>>
    %dma_start3A_129 = arith.constant 0 : i32
    %dma_start3A_130 = tpu.memref_slice %arg5[%dma_start3A_123, %dma_start3A_129] : memref<20x32xi32, #tpu.memory_space<vmem>> -> memref<1x32xi32, #tpu.memory_space<vmem>>
    %dma_start3A_131 = tpu.memref_squeeze %dma_start3A_130 : memref<1x32xi32, #tpu.memory_space<vmem>> -> memref<32xi32, #tpu.memory_space<vmem>>
    %dma_start3A_132 = tpu.memref_slice %arg2[%dma_start3A_122, %mul3A_2] : memref<20x1024xi32, #tpu.memory_space<hbm>> -> memref<1x32xi32, #tpu.memory_space<hbm>>
    %dma_start3A_133 = tpu.memref_squeeze %dma_start3A_132 : memref<1x32xi32, #tpu.memory_space<hbm>> -> memref<32xi32, #tpu.memory_space<hbm>>
    tpu.enqueue_dma source(%dma_start3A_133 : memref<32xi32, #tpu.memory_space<hbm>>) target(%dma_start3A_131 : memref<32xi32, #tpu.memory_space<vmem>>) target_semaphore(%arg8 : memref<!tpu.dma_semaphore, #tpu.memory_space<semaphore_mem>>)
    %dma_start3A_134 = arith.constant 11 : i32
    %dma_start3A_135 = arith.constant 11 : i32
    %dma_start3A_136 = arith.constant 0 : i32
    %dma_start3A_137 = tpu.memref_slice %arg5[%dma_start3A_135, %dma_start3A_136] : memref<20x32xi32, #tpu.memory_space<vmem>> -> memref<1x32xi32, #tpu.memory_space<vmem>>
    %dma_start3A_138 = tpu.memref_squeeze %dma_start3A_137 : memref<1x32xi32, #tpu.memory_space<vmem>> -> memref<32xi32, #tpu.memory_space<vmem>>
    %dma_start3A_139 = tpu.memref_slice %arg2[%dma_start3A_134, %mul3A_2] : memref<20x1024xi32, #tpu.memory_space<hbm>> -> memref<1x32xi32, #tpu.memory_space<hbm>>
    %dma_start3A_140 = tpu.memref_squeeze %dma_start3A_139 : memref<1x32xi32, #tpu.memory_space<hbm>> -> memref<32xi32, #tpu.memory_space<hbm>>
    %dma_start3A_141 = arith.constant 0 : i32
    %dma_start3A_142 = tpu.memref_slice %arg5[%dma_start3A_135, %dma_start3A_141] : memref<20x32xi32, #tpu.memory_space<vmem>> -> memref<1x32xi32, #tpu.memory_space<vmem>>
    %dma_start3A_143 = tpu.memref_squeeze %dma_start3A_142 : memref<1x32xi32, #tpu.memory_space<vmem>> -> memref<32xi32, #tpu.memory_space<vmem>>
    %dma_start3A_144 = tpu.memref_slice %arg2[%dma_start3A_134, %mul3A_2] : memref<20x1024xi32, #tpu.memory_space<hbm>> -> memref<1x32xi32, #tpu.memory_space<hbm>>
    %dma_start3A_145 = tpu.memref_squeeze %dma_start3A_144 : memref<1x32xi32, #tpu.memory_space<hbm>> -> memref<32xi32, #tpu.memory_space<hbm>>
    tpu.enqueue_dma source(%dma_start3A_145 : memref<32xi32, #tpu.memory_space<hbm>>) target(%dma_start3A_143 : memref<32xi32, #tpu.memory_space<vmem>>) target_semaphore(%arg8 : memref<!tpu.dma_semaphore, #tpu.memory_space<semaphore_mem>>)
    %dma_start3A_146 = arith.constant 12 : i32
    %dma_start3A_147 = arith.constant 12 : i32
    %dma_start3A_148 = arith.constant 0 : i32
    %dma_start3A_149 = tpu.memref_slice %arg5[%dma_start3A_147, %dma_start3A_148] : memref<20x32xi32, #tpu.memory_space<vmem>> -> memref<1x32xi32, #tpu.memory_space<vmem>>
    %dma_start3A_150 = tpu.memref_squeeze %dma_start3A_149 : memref<1x32xi32, #tpu.memory_space<vmem>> -> memref<32xi32, #tpu.memory_space<vmem>>
    %dma_start3A_151 = tpu.memref_slice %arg2[%dma_start3A_146, %mul3A_2] : memref<20x1024xi32, #tpu.memory_space<hbm>> -> memref<1x32xi32, #tpu.memory_space<hbm>>
    %dma_start3A_152 = tpu.memref_squeeze %dma_start3A_151 : memref<1x32xi32, #tpu.memory_space<hbm>> -> memref<32xi32, #tpu.memory_space<hbm>>
    %dma_start3A_153 = arith.constant 0 : i32
    %dma_start3A_154 = tpu.memref_slice %arg5[%dma_start3A_147, %dma_start3A_153] : memref<20x32xi32, #tpu.memory_space<vmem>> -> memref<1x32xi32, #tpu.memory_space<vmem>>
    %dma_start3A_155 = tpu.memref_squeeze %dma_start3A_154 : memref<1x32xi32, #tpu.memory_space<vmem>> -> memref<32xi32, #tpu.memory_space<vmem>>
    %dma_start3A_156 = tpu.memref_slice %arg2[%dma_start3A_146, %mul3A_2] : memref<20x1024xi32, #tpu.memory_space<hbm>> -> memref<1x32xi32, #tpu.memory_space<hbm>>
    %dma_start3A_157 = tpu.memref_squeeze %dma_start3A_156 : memref<1x32xi32, #tpu.memory_space<hbm>> -> memref<32xi32, #tpu.memory_space<hbm>>
    tpu.enqueue_dma source(%dma_start3A_157 : memref<32xi32, #tpu.memory_space<hbm>>) target(%dma_start3A_155 : memref<32xi32, #tpu.memory_space<vmem>>) target_semaphore(%arg8 : memref<!tpu.dma_semaphore, #tpu.memory_space<semaphore_mem>>)
    %dma_start3A_158 = arith.constant 13 : i32
    %dma_start3A_159 = arith.constant 13 : i32
    %dma_start3A_160 = arith.constant 0 : i32
    %dma_start3A_161 = tpu.memref_slice %arg5[%dma_start3A_159, %dma_start3A_160] : memref<20x32xi32, #tpu.memory_space<vmem>> -> memref<1x32xi32, #tpu.memory_space<vmem>>
    %dma_start3A_162 = tpu.memref_squeeze %dma_start3A_161 : memref<1x32xi32, #tpu.memory_space<vmem>> -> memref<32xi32, #tpu.memory_space<vmem>>
    %dma_start3A_163 = tpu.memref_slice %arg2[%dma_start3A_158, %mul3A_2] : memref<20x1024xi32, #tpu.memory_space<hbm>> -> memref<1x32xi32, #tpu.memory_space<hbm>>
    %dma_start3A_164 = tpu.memref_squeeze %dma_start3A_163 : memref<1x32xi32, #tpu.memory_space<hbm>> -> memref<32xi32, #tpu.memory_space<hbm>>
    %dma_start3A_165 = arith.constant 0 : i32
    %dma_start3A_166 = tpu.memref_slice %arg5[%dma_start3A_159, %dma_start3A_165] : memref<20x32xi32, #tpu.memory_space<vmem>> -> memref<1x32xi32, #tpu.memory_space<vmem>>
    %dma_start3A_167 = tpu.memref_squeeze %dma_start3A_166 : memref<1x32xi32, #tpu.memory_space<vmem>> -> memref<32xi32, #tpu.memory_space<vmem>>
    %dma_start3A_168 = tpu.memref_slice %arg2[%dma_start3A_158, %mul3A_2] : memref<20x1024xi32, #tpu.memory_space<hbm>> -> memref<1x32xi32, #tpu.memory_space<hbm>>
    %dma_start3A_169 = tpu.memref_squeeze %dma_start3A_168 : memref<1x32xi32, #tpu.memory_space<hbm>> -> memref<32xi32, #tpu.memory_space<hbm>>
    tpu.enqueue_dma source(%dma_start3A_169 : memref<32xi32, #tpu.memory_space<hbm>>) target(%dma_start3A_167 : memref<32xi32, #tpu.memory_space<vmem>>) target_semaphore(%arg8 : memref<!tpu.dma_semaphore, #tpu.memory_space<semaphore_mem>>)
    %dma_start3A_170 = arith.constant 14 : i32
    %dma_start3A_171 = arith.constant 14 : i32
    %dma_start3A_172 = arith.constant 0 : i32
    %dma_start3A_173 = tpu.memref_slice %arg5[%dma_start3A_171, %dma_start3A_172] : memref<20x32xi32, #tpu.memory_space<vmem>> -> memref<1x32xi32, #tpu.memory_space<vmem>>
    %dma_start3A_174 = tpu.memref_squeeze %dma_start3A_173 : memref<1x32xi32, #tpu.memory_space<vmem>> -> memref<32xi32, #tpu.memory_space<vmem>>
    %dma_start3A_175 = tpu.memref_slice %arg2[%dma_start3A_170, %mul3A_2] : memref<20x1024xi32, #tpu.memory_space<hbm>> -> memref<1x32xi32, #tpu.memory_space<hbm>>
    %dma_start3A_176 = tpu.memref_squeeze %dma_start3A_175 : memref<1x32xi32, #tpu.memory_space<hbm>> -> memref<32xi32, #tpu.memory_space<hbm>>
    %dma_start3A_177 = arith.constant 0 : i32
    %dma_start3A_178 = tpu.memref_slice %arg5[%dma_start3A_171, %dma_start3A_177] : memref<20x32xi32, #tpu.memory_space<vmem>> -> memref<1x32xi32, #tpu.memory_space<vmem>>
    %dma_start3A_179 = tpu.memref_squeeze %dma_start3A_178 : memref<1x32xi32, #tpu.memory_space<vmem>> -> memref<32xi32, #tpu.memory_space<vmem>>
    %dma_start3A_180 = tpu.memref_slice %arg2[%dma_start3A_170, %mul3A_2] : memref<20x1024xi32, #tpu.memory_space<hbm>> -> memref<1x32xi32, #tpu.memory_space<hbm>>
    %dma_start3A_181 = tpu.memref_squeeze %dma_start3A_180 : memref<1x32xi32, #tpu.memory_space<hbm>> -> memref<32xi32, #tpu.memory_space<hbm>>
    tpu.enqueue_dma source(%dma_start3A_181 : memref<32xi32, #tpu.memory_space<hbm>>) target(%dma_start3A_179 : memref<32xi32, #tpu.memory_space<vmem>>) target_semaphore(%arg8 : memref<!tpu.dma_semaphore, #tpu.memory_space<semaphore_mem>>)
    %dma_start3A_182 = arith.constant 15 : i32
    %dma_start3A_183 = arith.constant 15 : i32
    %dma_start3A_184 = arith.constant 0 : i32
    %dma_start3A_185 = tpu.memref_slice %arg5[%dma_start3A_183, %dma_start3A_184] : memref<20x32xi32, #tpu.memory_space<vmem>> -> memref<1x32xi32, #tpu.memory_space<vmem>>
    %dma_start3A_186 = tpu.memref_squeeze %dma_start3A_185 : memref<1x32xi32, #tpu.memory_space<vmem>> -> memref<32xi32, #tpu.memory_space<vmem>>
    %dma_start3A_187 = tpu.memref_slice %arg2[%dma_start3A_182, %mul3A_2] : memref<20x1024xi32, #tpu.memory_space<hbm>> -> memref<1x32xi32, #tpu.memory_space<hbm>>
    %dma_start3A_188 = tpu.memref_squeeze %dma_start3A_187 : memref<1x32xi32, #tpu.memory_space<hbm>> -> memref<32xi32, #tpu.memory_space<hbm>>
    %dma_start3A_189 = arith.constant 0 : i32
    %dma_start3A_190 = tpu.memref_slice %arg5[%dma_start3A_183, %dma_start3A_189] : memref<20x32xi32, #tpu.memory_space<vmem>> -> memref<1x32xi32, #tpu.memory_space<vmem>>
    %dma_start3A_191 = tpu.memref_squeeze %dma_start3A_190 : memref<1x32xi32, #tpu.memory_space<vmem>> -> memref<32xi32, #tpu.memory_space<vmem>>
    %dma_start3A_192 = tpu.memref_slice %arg2[%dma_start3A_182, %mul3A_2] : memref<20x1024xi32, #tpu.memory_space<hbm>> -> memref<1x32xi32, #tpu.memory_space<hbm>>
    %dma_start3A_193 = tpu.memref_squeeze %dma_start3A_192 : memref<1x32xi32, #tpu.memory_space<hbm>> -> memref<32xi32, #tpu.memory_space<hbm>>
    tpu.enqueue_dma source(%dma_start3A_193 : memref<32xi32, #tpu.memory_space<hbm>>) target(%dma_start3A_191 : memref<32xi32, #tpu.memory_space<vmem>>) target_semaphore(%arg8 : memref<!tpu.dma_semaphore, #tpu.memory_space<semaphore_mem>>)
    %dma_start3A_194 = arith.constant 16 : i32
    %dma_start3A_195 = arith.constant 16 : i32
    %dma_start3A_196 = arith.constant 0 : i32
    %dma_start3A_197 = tpu.memref_slice %arg5[%dma_start3A_195, %dma_start3A_196] : memref<20x32xi32, #tpu.memory_space<vmem>> -> memref<1x32xi32, #tpu.memory_space<vmem>>
    %dma_start3A_198 = tpu.memref_squeeze %dma_start3A_197 : memref<1x32xi32, #tpu.memory_space<vmem>> -> memref<32xi32, #tpu.memory_space<vmem>>
    %dma_start3A_199 = tpu.memref_slice %arg2[%dma_start3A_194, %mul3A_2] : memref<20x1024xi32, #tpu.memory_space<hbm>> -> memref<1x32xi32, #tpu.memory_space<hbm>>
    %dma_start3A_200 = tpu.memref_squeeze %dma_start3A_199 : memref<1x32xi32, #tpu.memory_space<hbm>> -> memref<32xi32, #tpu.memory_space<hbm>>
    %dma_start3A_201 = arith.constant 0 : i32
    %dma_start3A_202 = tpu.memref_slice %arg5[%dma_start3A_195, %dma_start3A_201] : memref<20x32xi32, #tpu.memory_space<vmem>> -> memref<1x32xi32, #tpu.memory_space<vmem>>
    %dma_start3A_203 = tpu.memref_squeeze %dma_start3A_202 : memref<1x32xi32, #tpu.memory_space<vmem>> -> memref<32xi32, #tpu.memory_space<vmem>>
    %dma_start3A_204 = tpu.memref_slice %arg2[%dma_start3A_194, %mul3A_2] : memref<20x1024xi32, #tpu.memory_space<hbm>> -> memref<1x32xi32, #tpu.memory_space<hbm>>
    %dma_start3A_205 = tpu.memref_squeeze %dma_start3A_204 : memref<1x32xi32, #tpu.memory_space<hbm>> -> memref<32xi32, #tpu.memory_space<hbm>>
    tpu.enqueue_dma source(%dma_start3A_205 : memref<32xi32, #tpu.memory_space<hbm>>) target(%dma_start3A_203 : memref<32xi32, #tpu.memory_space<vmem>>) target_semaphore(%arg8 : memref<!tpu.dma_semaphore, #tpu.memory_space<semaphore_mem>>)
    %dma_start3A_206 = arith.constant 17 : i32
    %dma_start3A_207 = arith.constant 17 : i32
    %dma_start3A_208 = arith.constant 0 : i32
    %dma_start3A_209 = tpu.memref_slice %arg5[%dma_start3A_207, %dma_start3A_208] : memref<20x32xi32, #tpu.memory_space<vmem>> -> memref<1x32xi32, #tpu.memory_space<vmem>>
    %dma_start3A_210 = tpu.memref_squeeze %dma_start3A_209 : memref<1x32xi32, #tpu.memory_space<vmem>> -> memref<32xi32, #tpu.memory_space<vmem>>
    %dma_start3A_211 = tpu.memref_slice %arg2[%dma_start3A_206, %mul3A_2] : memref<20x1024xi32, #tpu.memory_space<hbm>> -> memref<1x32xi32, #tpu.memory_space<hbm>>
    %dma_start3A_212 = tpu.memref_squeeze %dma_start3A_211 : memref<1x32xi32, #tpu.memory_space<hbm>> -> memref<32xi32, #tpu.memory_space<hbm>>
    %dma_start3A_213 = arith.constant 0 : i32
    %dma_start3A_214 = tpu.memref_slice %arg5[%dma_start3A_207, %dma_start3A_213] : memref<20x32xi32, #tpu.memory_space<vmem>> -> memref<1x32xi32, #tpu.memory_space<vmem>>
    %dma_start3A_215 = tpu.memref_squeeze %dma_start3A_214 : memref<1x32xi32, #tpu.memory_space<vmem>> -> memref<32xi32, #tpu.memory_space<vmem>>
    %dma_start3A_216 = tpu.memref_slice %arg2[%dma_start3A_206, %mul3A_2] : memref<20x1024xi32, #tpu.memory_space<hbm>> -> memref<1x32xi32, #tpu.memory_space<hbm>>
    %dma_start3A_217 = tpu.memref_squeeze %dma_start3A_216 : memref<1x32xi32, #tpu.memory_space<hbm>> -> memref<32xi32, #tpu.memory_space<hbm>>
    tpu.enqueue_dma source(%dma_start3A_217 : memref<32xi32, #tpu.memory_space<hbm>>) target(%dma_start3A_215 : memref<32xi32, #tpu.memory_space<vmem>>) target_semaphore(%arg8 : memref<!tpu.dma_semaphore, #tpu.memory_space<semaphore_mem>>)
    %dma_start3A_218 = arith.constant 18 : i32
    %dma_start3A_219 = arith.constant 18 : i32
    %dma_start3A_220 = arith.constant 0 : i32
    %dma_start3A_221 = tpu.memref_slice %arg5[%dma_start3A_219, %dma_start3A_220] : memref<20x32xi32, #tpu.memory_space<vmem>> -> memref<1x32xi32, #tpu.memory_space<vmem>>
    %dma_start3A_222 = tpu.memref_squeeze %dma_start3A_221 : memref<1x32xi32, #tpu.memory_space<vmem>> -> memref<32xi32, #tpu.memory_space<vmem>>
    %dma_start3A_223 = tpu.memref_slice %arg2[%dma_start3A_218, %mul3A_2] : memref<20x1024xi32, #tpu.memory_space<hbm>> -> memref<1x32xi32, #tpu.memory_space<hbm>>
    %dma_start3A_224 = tpu.memref_squeeze %dma_start3A_223 : memref<1x32xi32, #tpu.memory_space<hbm>> -> memref<32xi32, #tpu.memory_space<hbm>>
    %dma_start3A_225 = arith.constant 0 : i32
    %dma_start3A_226 = tpu.memref_slice %arg5[%dma_start3A_219, %dma_start3A_225] : memref<20x32xi32, #tpu.memory_space<vmem>> -> memref<1x32xi32, #tpu.memory_space<vmem>>
    %dma_start3A_227 = tpu.memref_squeeze %dma_start3A_226 : memref<1x32xi32, #tpu.memory_space<vmem>> -> memref<32xi32, #tpu.memory_space<vmem>>
    %dma_start3A_228 = tpu.memref_slice %arg2[%dma_start3A_218, %mul3A_2] : memref<20x1024xi32, #tpu.memory_space<hbm>> -> memref<1x32xi32, #tpu.memory_space<hbm>>
    %dma_start3A_229 = tpu.memref_squeeze %dma_start3A_228 : memref<1x32xi32, #tpu.memory_space<hbm>> -> memref<32xi32, #tpu.memory_space<hbm>>
    tpu.enqueue_dma source(%dma_start3A_229 : memref<32xi32, #tpu.memory_space<hbm>>) target(%dma_start3A_227 : memref<32xi32, #tpu.memory_space<vmem>>) target_semaphore(%arg8 : memref<!tpu.dma_semaphore, #tpu.memory_space<semaphore_mem>>)
    %dma_start3A_230 = arith.constant 19 : i32
    %dma_start3A_231 = arith.constant 19 : i32
    %dma_start3A_232 = arith.constant 0 : i32
    %dma_start3A_233 = tpu.memref_slice %arg5[%dma_start3A_231, %dma_start3A_232] : memref<20x32xi32, #tpu.memory_space<vmem>> -> memref<1x32xi32, #tpu.memory_space<vmem>>
    %dma_start3A_234 = tpu.memref_squeeze %dma_start3A_233 : memref<1x32xi32, #tpu.memory_space<vmem>> -> memref<32xi32, #tpu.memory_space<vmem>>
    %dma_start3A_235 = tpu.memref_slice %arg2[%dma_start3A_230, %mul3A_2] : memref<20x1024xi32, #tpu.memory_space<hbm>> -> memref<1x32xi32, #tpu.memory_space<hbm>>
    %dma_start3A_236 = tpu.memref_squeeze %dma_start3A_235 : memref<1x32xi32, #tpu.memory_space<hbm>> -> memref<32xi32, #tpu.memory_space<hbm>>
    %dma_start3A_237 = arith.constant 0 : i32
    %dma_start3A_238 = tpu.memref_slice %arg5[%dma_start3A_231, %dma_start3A_237] : memref<20x32xi32, #tpu.memory_space<vmem>> -> memref<1x32xi32, #tpu.memory_space<vmem>>
    %dma_start3A_239 = tpu.memref_squeeze %dma_start3A_238 : memref<1x32xi32, #tpu.memory_space<vmem>> -> memref<32xi32, #tpu.memory_space<vmem>>
    %dma_start3A_240 = tpu.memref_slice %arg2[%dma_start3A_230, %mul3A_2] : memref<20x1024xi32, #tpu.memory_space<hbm>> -> memref<1x32xi32, #tpu.memory_space<hbm>>
    %dma_start3A_241 = tpu.memref_squeeze %dma_start3A_240 : memref<1x32xi32, #tpu.memory_space<hbm>> -> memref<32xi32, #tpu.memory_space<hbm>>
    tpu.enqueue_dma source(%dma_start3A_241 : memref<32xi32, #tpu.memory_space<hbm>>) target(%dma_start3A_239 : memref<32xi32, #tpu.memory_space<vmem>>) target_semaphore(%arg8 : memref<!tpu.dma_semaphore, #tpu.memory_space<semaphore_mem>>)
    %dma_wait3A = arith.constant 0 : i32
    %dma_wait3A_242 = arith.constant 0 : i32
    %dma_wait3A_243 = arith.constant 0 : i32
    %dma_wait3A_244 = tpu.memref_slice %arg5[%dma_wait3A_242, %dma_wait3A_243] : memref<20x32xi32, #tpu.memory_space<vmem>> -> memref<1x32xi32, #tpu.memory_space<vmem>>
    %dma_wait3A_245 = tpu.memref_squeeze %dma_wait3A_244 : memref<1x32xi32, #tpu.memory_space<vmem>> -> memref<32xi32, #tpu.memory_space<vmem>>
    %dma_wait3A_246 = tpu.memref_slice %arg2[%dma_wait3A, %mul3A_2] : memref<20x1024xi32, #tpu.memory_space<hbm>> -> memref<1x32xi32, #tpu.memory_space<hbm>>
    %dma_wait3A_247 = tpu.memref_squeeze %dma_wait3A_246 : memref<1x32xi32, #tpu.memory_space<hbm>> -> memref<32xi32, #tpu.memory_space<hbm>>
    %dma_wait3A_248 = arith.constant 0 : i32
    %dma_wait3A_249 = tpu.memref_slice %arg5[%dma_wait3A_242, %dma_wait3A_248] : memref<20x32xi32, #tpu.memory_space<vmem>> -> memref<1x32xi32, #tpu.memory_space<vmem>>
    %dma_wait3A_250 = tpu.memref_squeeze %dma_wait3A_249 : memref<1x32xi32, #tpu.memory_space<vmem>> -> memref<32xi32, #tpu.memory_space<vmem>>
    %dma_wait3A_251 = tpu.memref_slice %arg2[%dma_wait3A, %mul3A_2] : memref<20x1024xi32, #tpu.memory_space<hbm>> -> memref<1x32xi32, #tpu.memory_space<hbm>>
    %dma_wait3A_252 = tpu.memref_squeeze %dma_wait3A_251 : memref<1x32xi32, #tpu.memory_space<hbm>> -> memref<32xi32, #tpu.memory_space<hbm>>
    tpu.wait_dma2 semaphore(%arg8 : memref<!tpu.dma_semaphore, #tpu.memory_space<semaphore_mem>>) src(%dma_wait3A_252 : memref<32xi32, #tpu.memory_space<hbm>>) dst(%dma_wait3A_250 : memref<32xi32, #tpu.memory_space<vmem>>)
    %dma_wait3A_253 = arith.constant 1 : i32
    %dma_wait3A_254 = arith.constant 1 : i32
    %dma_wait3A_255 = arith.constant 0 : i32
    %dma_wait3A_256 = tpu.memref_slice %arg5[%dma_wait3A_254, %dma_wait3A_255] : memref<20x32xi32, #tpu.memory_space<vmem>> -> memref<1x32xi32, #tpu.memory_space<vmem>>
    %dma_wait3A_257 = tpu.memref_squeeze %dma_wait3A_256 : memref<1x32xi32, #tpu.memory_space<vmem>> -> memref<32xi32, #tpu.memory_space<vmem>>
    %dma_wait3A_258 = tpu.memref_slice %arg2[%dma_wait3A_253, %mul3A_2] : memref<20x1024xi32, #tpu.memory_space<hbm>> -> memref<1x32xi32, #tpu.memory_space<hbm>>
    %dma_wait3A_259 = tpu.memref_squeeze %dma_wait3A_258 : memref<1x32xi32, #tpu.memory_space<hbm>> -> memref<32xi32, #tpu.memory_space<hbm>>
    %dma_wait3A_260 = arith.constant 0 : i32
    %dma_wait3A_261 = tpu.memref_slice %arg5[%dma_wait3A_254, %dma_wait3A_260] : memref<20x32xi32, #tpu.memory_space<vmem>> -> memref<1x32xi32, #tpu.memory_space<vmem>>
    %dma_wait3A_262 = tpu.memref_squeeze %dma_wait3A_261 : memref<1x32xi32, #tpu.memory_space<vmem>> -> memref<32xi32, #tpu.memory_space<vmem>>
    %dma_wait3A_263 = tpu.memref_slice %arg2[%dma_wait3A_253, %mul3A_2] : memref<20x1024xi32, #tpu.memory_space<hbm>> -> memref<1x32xi32, #tpu.memory_space<hbm>>
    %dma_wait3A_264 = tpu.memref_squeeze %dma_wait3A_263 : memref<1x32xi32, #tpu.memory_space<hbm>> -> memref<32xi32, #tpu.memory_space<hbm>>
    tpu.wait_dma2 semaphore(%arg8 : memref<!tpu.dma_semaphore, #tpu.memory_space<semaphore_mem>>) src(%dma_wait3A_264 : memref<32xi32, #tpu.memory_space<hbm>>) dst(%dma_wait3A_262 : memref<32xi32, #tpu.memory_space<vmem>>)
    %dma_wait3A_265 = arith.constant 2 : i32
    %dma_wait3A_266 = arith.constant 2 : i32
    %dma_wait3A_267 = arith.constant 0 : i32
    %dma_wait3A_268 = tpu.memref_slice %arg5[%dma_wait3A_266, %dma_wait3A_267] : memref<20x32xi32, #tpu.memory_space<vmem>> -> memref<1x32xi32, #tpu.memory_space<vmem>>
    %dma_wait3A_269 = tpu.memref_squeeze %dma_wait3A_268 : memref<1x32xi32, #tpu.memory_space<vmem>> -> memref<32xi32, #tpu.memory_space<vmem>>
    %dma_wait3A_270 = tpu.memref_slice %arg2[%dma_wait3A_265, %mul3A_2] : memref<20x1024xi32, #tpu.memory_space<hbm>> -> memref<1x32xi32, #tpu.memory_space<hbm>>
    %dma_wait3A_271 = tpu.memref_squeeze %dma_wait3A_270 : memref<1x32xi32, #tpu.memory_space<hbm>> -> memref<32xi32, #tpu.memory_space<hbm>>
    %dma_wait3A_272 = arith.constant 0 : i32
    %dma_wait3A_273 = tpu.memref_slice %arg5[%dma_wait3A_266, %dma_wait3A_272] : memref<20x32xi32, #tpu.memory_space<vmem>> -> memref<1x32xi32, #tpu.memory_space<vmem>>
    %dma_wait3A_274 = tpu.memref_squeeze %dma_wait3A_273 : memref<1x32xi32, #tpu.memory_space<vmem>> -> memref<32xi32, #tpu.memory_space<vmem>>
    %dma_wait3A_275 = tpu.memref_slice %arg2[%dma_wait3A_265, %mul3A_2] : memref<20x1024xi32, #tpu.memory_space<hbm>> -> memref<1x32xi32, #tpu.memory_space<hbm>>
    %dma_wait3A_276 = tpu.memref_squeeze %dma_wait3A_275 : memref<1x32xi32, #tpu.memory_space<hbm>> -> memref<32xi32, #tpu.memory_space<hbm>>
    tpu.wait_dma2 semaphore(%arg8 : memref<!tpu.dma_semaphore, #tpu.memory_space<semaphore_mem>>) src(%dma_wait3A_276 : memref<32xi32, #tpu.memory_space<hbm>>) dst(%dma_wait3A_274 : memref<32xi32, #tpu.memory_space<vmem>>)
    %dma_wait3A_277 = arith.constant 3 : i32
    %dma_wait3A_278 = arith.constant 3 : i32
    %dma_wait3A_279 = arith.constant 0 : i32
    %dma_wait3A_280 = tpu.memref_slice %arg5[%dma_wait3A_278, %dma_wait3A_279] : memref<20x32xi32, #tpu.memory_space<vmem>> -> memref<1x32xi32, #tpu.memory_space<vmem>>
    %dma_wait3A_281 = tpu.memref_squeeze %dma_wait3A_280 : memref<1x32xi32, #tpu.memory_space<vmem>> -> memref<32xi32, #tpu.memory_space<vmem>>
    %dma_wait3A_282 = tpu.memref_slice %arg2[%dma_wait3A_277, %mul3A_2] : memref<20x1024xi32, #tpu.memory_space<hbm>> -> memref<1x32xi32, #tpu.memory_space<hbm>>
    %dma_wait3A_283 = tpu.memref_squeeze %dma_wait3A_282 : memref<1x32xi32, #tpu.memory_space<hbm>> -> memref<32xi32, #tpu.memory_space<hbm>>
    %dma_wait3A_284 = arith.constant 0 : i32
    %dma_wait3A_285 = tpu.memref_slice %arg5[%dma_wait3A_278, %dma_wait3A_284] : memref<20x32xi32, #tpu.memory_space<vmem>> -> memref<1x32xi32, #tpu.memory_space<vmem>>
    %dma_wait3A_286 = tpu.memref_squeeze %dma_wait3A_285 : memref<1x32xi32, #tpu.memory_space<vmem>> -> memref<32xi32, #tpu.memory_space<vmem>>
    %dma_wait3A_287 = tpu.memref_slice %arg2[%dma_wait3A_277, %mul3A_2] : memref<20x1024xi32, #tpu.memory_space<hbm>> -> memref<1x32xi32, #tpu.memory_space<hbm>>
    %dma_wait3A_288 = tpu.memref_squeeze %dma_wait3A_287 : memref<1x32xi32, #tpu.memory_space<hbm>> -> memref<32xi32, #tpu.memory_space<hbm>>
    tpu.wait_dma2 semaphore(%arg8 : memref<!tpu.dma_semaphore, #tpu.memory_space<semaphore_mem>>) src(%dma_wait3A_288 : memref<32xi32, #tpu.memory_space<hbm>>) dst(%dma_wait3A_286 : memref<32xi32, #tpu.memory_space<vmem>>)
    %dma_wait3A_289 = arith.constant 4 : i32
    %dma_wait3A_290 = arith.constant 4 : i32
    %dma_wait3A_291 = arith.constant 0 : i32
    %dma_wait3A_292 = tpu.memref_slice %arg5[%dma_wait3A_290, %dma_wait3A_291] : memref<20x32xi32, #tpu.memory_space<vmem>> -> memref<1x32xi32, #tpu.memory_space<vmem>>
    %dma_wait3A_293 = tpu.memref_squeeze %dma_wait3A_292 : memref<1x32xi32, #tpu.memory_space<vmem>> -> memref<32xi32, #tpu.memory_space<vmem>>
    %dma_wait3A_294 = tpu.memref_slice %arg2[%dma_wait3A_289, %mul3A_2] : memref<20x1024xi32, #tpu.memory_space<hbm>> -> memref<1x32xi32, #tpu.memory_space<hbm>>
    %dma_wait3A_295 = tpu.memref_squeeze %dma_wait3A_294 : memref<1x32xi32, #tpu.memory_space<hbm>> -> memref<32xi32, #tpu.memory_space<hbm>>
    %dma_wait3A_296 = arith.constant 0 : i32
    %dma_wait3A_297 = tpu.memref_slice %arg5[%dma_wait3A_290, %dma_wait3A_296] : memref<20x32xi32, #tpu.memory_space<vmem>> -> memref<1x32xi32, #tpu.memory_space<vmem>>
    %dma_wait3A_298 = tpu.memref_squeeze %dma_wait3A_297 : memref<1x32xi32, #tpu.memory_space<vmem>> -> memref<32xi32, #tpu.memory_space<vmem>>
    %dma_wait3A_299 = tpu.memref_slice %arg2[%dma_wait3A_289, %mul3A_2] : memref<20x1024xi32, #tpu.memory_space<hbm>> -> memref<1x32xi32, #tpu.memory_space<hbm>>
    %dma_wait3A_300 = tpu.memref_squeeze %dma_wait3A_299 : memref<1x32xi32, #tpu.memory_space<hbm>> -> memref<32xi32, #tpu.memory_space<hbm>>
    tpu.wait_dma2 semaphore(%arg8 : memref<!tpu.dma_semaphore, #tpu.memory_space<semaphore_mem>>) src(%dma_wait3A_300 : memref<32xi32, #tpu.memory_space<hbm>>) dst(%dma_wait3A_298 : memref<32xi32, #tpu.memory_space<vmem>>)
    %dma_wait3A_301 = arith.constant 5 : i32
    %dma_wait3A_302 = arith.constant 5 : i32
    %dma_wait3A_303 = arith.constant 0 : i32
    %dma_wait3A_304 = tpu.memref_slice %arg5[%dma_wait3A_302, %dma_wait3A_303] : memref<20x32xi32, #tpu.memory_space<vmem>> -> memref<1x32xi32, #tpu.memory_space<vmem>>
    %dma_wait3A_305 = tpu.memref_squeeze %dma_wait3A_304 : memref<1x32xi32, #tpu.memory_space<vmem>> -> memref<32xi32, #tpu.memory_space<vmem>>
    %dma_wait3A_306 = tpu.memref_slice %arg2[%dma_wait3A_301, %mul3A_2] : memref<20x1024xi32, #tpu.memory_space<hbm>> -> memref<1x32xi32, #tpu.memory_space<hbm>>
    %dma_wait3A_307 = tpu.memref_squeeze %dma_wait3A_306 : memref<1x32xi32, #tpu.memory_space<hbm>> -> memref<32xi32, #tpu.memory_space<hbm>>
    %dma_wait3A_308 = arith.constant 0 : i32
    %dma_wait3A_309 = tpu.memref_slice %arg5[%dma_wait3A_302, %dma_wait3A_308] : memref<20x32xi32, #tpu.memory_space<vmem>> -> memref<1x32xi32, #tpu.memory_space<vmem>>
    %dma_wait3A_310 = tpu.memref_squeeze %dma_wait3A_309 : memref<1x32xi32, #tpu.memory_space<vmem>> -> memref<32xi32, #tpu.memory_space<vmem>>
    %dma_wait3A_311 = tpu.memref_slice %arg2[%dma_wait3A_301, %mul3A_2] : memref<20x1024xi32, #tpu.memory_space<hbm>> -> memref<1x32xi32, #tpu.memory_space<hbm>>
    %dma_wait3A_312 = tpu.memref_squeeze %dma_wait3A_311 : memref<1x32xi32, #tpu.memory_space<hbm>> -> memref<32xi32, #tpu.memory_space<hbm>>
    tpu.wait_dma2 semaphore(%arg8 : memref<!tpu.dma_semaphore, #tpu.memory_space<semaphore_mem>>) src(%dma_wait3A_312 : memref<32xi32, #tpu.memory_space<hbm>>) dst(%dma_wait3A_310 : memref<32xi32, #tpu.memory_space<vmem>>)
    %dma_wait3A_313 = arith.constant 6 : i32
    %dma_wait3A_314 = arith.constant 6 : i32
    %dma_wait3A_315 = arith.constant 0 : i32
    %dma_wait3A_316 = tpu.memref_slice %arg5[%dma_wait3A_314, %dma_wait3A_315] : memref<20x32xi32, #tpu.memory_space<vmem>> -> memref<1x32xi32, #tpu.memory_space<vmem>>
    %dma_wait3A_317 = tpu.memref_squeeze %dma_wait3A_316 : memref<1x32xi32, #tpu.memory_space<vmem>> -> memref<32xi32, #tpu.memory_space<vmem>>
    %dma_wait3A_318 = tpu.memref_slice %arg2[%dma_wait3A_313, %mul3A_2] : memref<20x1024xi32, #tpu.memory_space<hbm>> -> memref<1x32xi32, #tpu.memory_space<hbm>>
    %dma_wait3A_319 = tpu.memref_squeeze %dma_wait3A_318 : memref<1x32xi32, #tpu.memory_space<hbm>> -> memref<32xi32, #tpu.memory_space<hbm>>
    %dma_wait3A_320 = arith.constant 0 : i32
    %dma_wait3A_321 = tpu.memref_slice %arg5[%dma_wait3A_314, %dma_wait3A_320] : memref<20x32xi32, #tpu.memory_space<vmem>> -> memref<1x32xi32, #tpu.memory_space<vmem>>
    %dma_wait3A_322 = tpu.memref_squeeze %dma_wait3A_321 : memref<1x32xi32, #tpu.memory_space<vmem>> -> memref<32xi32, #tpu.memory_space<vmem>>
    %dma_wait3A_323 = tpu.memref_slice %arg2[%dma_wait3A_313, %mul3A_2] : memref<20x1024xi32, #tpu.memory_space<hbm>> -> memref<1x32xi32, #tpu.memory_space<hbm>>
    %dma_wait3A_324 = tpu.memref_squeeze %dma_wait3A_323 : memref<1x32xi32, #tpu.memory_space<hbm>> -> memref<32xi32, #tpu.memory_space<hbm>>
    tpu.wait_dma2 semaphore(%arg8 : memref<!tpu.dma_semaphore, #tpu.memory_space<semaphore_mem>>) src(%dma_wait3A_324 : memref<32xi32, #tpu.memory_space<hbm>>) dst(%dma_wait3A_322 : memref<32xi32, #tpu.memory_space<vmem>>)
    %dma_wait3A_325 = arith.constant 7 : i32
    %dma_wait3A_326 = arith.constant 7 : i32
    %dma_wait3A_327 = arith.constant 0 : i32
    %dma_wait3A_328 = tpu.memref_slice %arg5[%dma_wait3A_326, %dma_wait3A_327] : memref<20x32xi32, #tpu.memory_space<vmem>> -> memref<1x32xi32, #tpu.memory_space<vmem>>
    %dma_wait3A_329 = tpu.memref_squeeze %dma_wait3A_328 : memref<1x32xi32, #tpu.memory_space<vmem>> -> memref<32xi32, #tpu.memory_space<vmem>>
    %dma_wait3A_330 = tpu.memref_slice %arg2[%dma_wait3A_325, %mul3A_2] : memref<20x1024xi32, #tpu.memory_space<hbm>> -> memref<1x32xi32, #tpu.memory_space<hbm>>
    %dma_wait3A_331 = tpu.memref_squeeze %dma_wait3A_330 : memref<1x32xi32, #tpu.memory_space<hbm>> -> memref<32xi32, #tpu.memory_space<hbm>>
    %dma_wait3A_332 = arith.constant 0 : i32
    %dma_wait3A_333 = tpu.memref_slice %arg5[%dma_wait3A_326, %dma_wait3A_332] : memref<20x32xi32, #tpu.memory_space<vmem>> -> memref<1x32xi32, #tpu.memory_space<vmem>>
    %dma_wait3A_334 = tpu.memref_squeeze %dma_wait3A_333 : memref<1x32xi32, #tpu.memory_space<vmem>> -> memref<32xi32, #tpu.memory_space<vmem>>
    %dma_wait3A_335 = tpu.memref_slice %arg2[%dma_wait3A_325, %mul3A_2] : memref<20x1024xi32, #tpu.memory_space<hbm>> -> memref<1x32xi32, #tpu.memory_space<hbm>>
    %dma_wait3A_336 = tpu.memref_squeeze %dma_wait3A_335 : memref<1x32xi32, #tpu.memory_space<hbm>> -> memref<32xi32, #tpu.memory_space<hbm>>
    tpu.wait_dma2 semaphore(%arg8 : memref<!tpu.dma_semaphore, #tpu.memory_space<semaphore_mem>>) src(%dma_wait3A_336 : memref<32xi32, #tpu.memory_space<hbm>>) dst(%dma_wait3A_334 : memref<32xi32, #tpu.memory_space<vmem>>)
    %dma_wait3A_337 = arith.constant 8 : i32
    %dma_wait3A_338 = arith.constant 8 : i32
    %dma_wait3A_339 = arith.constant 0 : i32
    %dma_wait3A_340 = tpu.memref_slice %arg5[%dma_wait3A_338, %dma_wait3A_339] : memref<20x32xi32, #tpu.memory_space<vmem>> -> memref<1x32xi32, #tpu.memory_space<vmem>>
    %dma_wait3A_341 = tpu.memref_squeeze %dma_wait3A_340 : memref<1x32xi32, #tpu.memory_space<vmem>> -> memref<32xi32, #tpu.memory_space<vmem>>
    %dma_wait3A_342 = tpu.memref_slice %arg2[%dma_wait3A_337, %mul3A_2] : memref<20x1024xi32, #tpu.memory_space<hbm>> -> memref<1x32xi32, #tpu.memory_space<hbm>>
    %dma_wait3A_343 = tpu.memref_squeeze %dma_wait3A_342 : memref<1x32xi32, #tpu.memory_space<hbm>> -> memref<32xi32, #tpu.memory_space<hbm>>
    %dma_wait3A_344 = arith.constant 0 : i32
    %dma_wait3A_345 = tpu.memref_slice %arg5[%dma_wait3A_338, %dma_wait3A_344] : memref<20x32xi32, #tpu.memory_space<vmem>> -> memref<1x32xi32, #tpu.memory_space<vmem>>
    %dma_wait3A_346 = tpu.memref_squeeze %dma_wait3A_345 : memref<1x32xi32, #tpu.memory_space<vmem>> -> memref<32xi32, #tpu.memory_space<vmem>>
    %dma_wait3A_347 = tpu.memref_slice %arg2[%dma_wait3A_337, %mul3A_2] : memref<20x1024xi32, #tpu.memory_space<hbm>> -> memref<1x32xi32, #tpu.memory_space<hbm>>
    %dma_wait3A_348 = tpu.memref_squeeze %dma_wait3A_347 : memref<1x32xi32, #tpu.memory_space<hbm>> -> memref<32xi32, #tpu.memory_space<hbm>>
    tpu.wait_dma2 semaphore(%arg8 : memref<!tpu.dma_semaphore, #tpu.memory_space<semaphore_mem>>) src(%dma_wait3A_348 : memref<32xi32, #tpu.memory_space<hbm>>) dst(%dma_wait3A_346 : memref<32xi32, #tpu.memory_space<vmem>>)
    %dma_wait3A_349 = arith.constant 9 : i32
    %dma_wait3A_350 = arith.constant 9 : i32
    %dma_wait3A_351 = arith.constant 0 : i32
    %dma_wait3A_352 = tpu.memref_slice %arg5[%dma_wait3A_350, %dma_wait3A_351] : memref<20x32xi32, #tpu.memory_space<vmem>> -> memref<1x32xi32, #tpu.memory_space<vmem>>
    %dma_wait3A_353 = tpu.memref_squeeze %dma_wait3A_352 : memref<1x32xi32, #tpu.memory_space<vmem>> -> memref<32xi32, #tpu.memory_space<vmem>>
    %dma_wait3A_354 = tpu.memref_slice %arg2[%dma_wait3A_349, %mul3A_2] : memref<20x1024xi32, #tpu.memory_space<hbm>> -> memref<1x32xi32, #tpu.memory_space<hbm>>
    %dma_wait3A_355 = tpu.memref_squeeze %dma_wait3A_354 : memref<1x32xi32, #tpu.memory_space<hbm>> -> memref<32xi32, #tpu.memory_space<hbm>>
    %dma_wait3A_356 = arith.constant 0 : i32
    %dma_wait3A_357 = tpu.memref_slice %arg5[%dma_wait3A_350, %dma_wait3A_356] : memref<20x32xi32, #tpu.memory_space<vmem>> -> memref<1x32xi32, #tpu.memory_space<vmem>>
    %dma_wait3A_358 = tpu.memref_squeeze %dma_wait3A_357 : memref<1x32xi32, #tpu.memory_space<vmem>> -> memref<32xi32, #tpu.memory_space<vmem>>
    %dma_wait3A_359 = tpu.memref_slice %arg2[%dma_wait3A_349, %mul3A_2] : memref<20x1024xi32, #tpu.memory_space<hbm>> -> memref<1x32xi32, #tpu.memory_space<hbm>>
    %dma_wait3A_360 = tpu.memref_squeeze %dma_wait3A_359 : memref<1x32xi32, #tpu.memory_space<hbm>> -> memref<32xi32, #tpu.memory_space<hbm>>
    tpu.wait_dma2 semaphore(%arg8 : memref<!tpu.dma_semaphore, #tpu.memory_space<semaphore_mem>>) src(%dma_wait3A_360 : memref<32xi32, #tpu.memory_space<hbm>>) dst(%dma_wait3A_358 : memref<32xi32, #tpu.memory_space<vmem>>)
    %dma_wait3A_361 = arith.constant 10 : i32
    %dma_wait3A_362 = arith.constant 10 : i32
    %dma_wait3A_363 = arith.constant 0 : i32
    %dma_wait3A_364 = tpu.memref_slice %arg5[%dma_wait3A_362, %dma_wait3A_363] : memref<20x32xi32, #tpu.memory_space<vmem>> -> memref<1x32xi32, #tpu.memory_space<vmem>>
    %dma_wait3A_365 = tpu.memref_squeeze %dma_wait3A_364 : memref<1x32xi32, #tpu.memory_space<vmem>> -> memref<32xi32, #tpu.memory_space<vmem>>
    %dma_wait3A_366 = tpu.memref_slice %arg2[%dma_wait3A_361, %mul3A_2] : memref<20x1024xi32, #tpu.memory_space<hbm>> -> memref<1x32xi32, #tpu.memory_space<hbm>>
    %dma_wait3A_367 = tpu.memref_squeeze %dma_wait3A_366 : memref<1x32xi32, #tpu.memory_space<hbm>> -> memref<32xi32, #tpu.memory_space<hbm>>
    %dma_wait3A_368 = arith.constant 0 : i32
    %dma_wait3A_369 = tpu.memref_slice %arg5[%dma_wait3A_362, %dma_wait3A_368] : memref<20x32xi32, #tpu.memory_space<vmem>> -> memref<1x32xi32, #tpu.memory_space<vmem>>
    %dma_wait3A_370 = tpu.memref_squeeze %dma_wait3A_369 : memref<1x32xi32, #tpu.memory_space<vmem>> -> memref<32xi32, #tpu.memory_space<vmem>>
    %dma_wait3A_371 = tpu.memref_slice %arg2[%dma_wait3A_361, %mul3A_2] : memref<20x1024xi32, #tpu.memory_space<hbm>> -> memref<1x32xi32, #tpu.memory_space<hbm>>
    %dma_wait3A_372 = tpu.memref_squeeze %dma_wait3A_371 : memref<1x32xi32, #tpu.memory_space<hbm>> -> memref<32xi32, #tpu.memory_space<hbm>>
    tpu.wait_dma2 semaphore(%arg8 : memref<!tpu.dma_semaphore, #tpu.memory_space<semaphore_mem>>) src(%dma_wait3A_372 : memref<32xi32, #tpu.memory_space<hbm>>) dst(%dma_wait3A_370 : memref<32xi32, #tpu.memory_space<vmem>>)
    %dma_wait3A_373 = arith.constant 11 : i32
    %dma_wait3A_374 = arith.constant 11 : i32
    %dma_wait3A_375 = arith.constant 0 : i32
    %dma_wait3A_376 = tpu.memref_slice %arg5[%dma_wait3A_374, %dma_wait3A_375] : memref<20x32xi32, #tpu.memory_space<vmem>> -> memref<1x32xi32, #tpu.memory_space<vmem>>
    %dma_wait3A_377 = tpu.memref_squeeze %dma_wait3A_376 : memref<1x32xi32, #tpu.memory_space<vmem>> -> memref<32xi32, #tpu.memory_space<vmem>>
    %dma_wait3A_378 = tpu.memref_slice %arg2[%dma_wait3A_373, %mul3A_2] : memref<20x1024xi32, #tpu.memory_space<hbm>> -> memref<1x32xi32, #tpu.memory_space<hbm>>
    %dma_wait3A_379 = tpu.memref_squeeze %dma_wait3A_378 : memref<1x32xi32, #tpu.memory_space<hbm>> -> memref<32xi32, #tpu.memory_space<hbm>>
    %dma_wait3A_380 = arith.constant 0 : i32
    %dma_wait3A_381 = tpu.memref_slice %arg5[%dma_wait3A_374, %dma_wait3A_380] : memref<20x32xi32, #tpu.memory_space<vmem>> -> memref<1x32xi32, #tpu.memory_space<vmem>>
    %dma_wait3A_382 = tpu.memref_squeeze %dma_wait3A_381 : memref<1x32xi32, #tpu.memory_space<vmem>> -> memref<32xi32, #tpu.memory_space<vmem>>
    %dma_wait3A_383 = tpu.memref_slice %arg2[%dma_wait3A_373, %mul3A_2] : memref<20x1024xi32, #tpu.memory_space<hbm>> -> memref<1x32xi32, #tpu.memory_space<hbm>>
    %dma_wait3A_384 = tpu.memref_squeeze %dma_wait3A_383 : memref<1x32xi32, #tpu.memory_space<hbm>> -> memref<32xi32, #tpu.memory_space<hbm>>
    tpu.wait_dma2 semaphore(%arg8 : memref<!tpu.dma_semaphore, #tpu.memory_space<semaphore_mem>>) src(%dma_wait3A_384 : memref<32xi32, #tpu.memory_space<hbm>>) dst(%dma_wait3A_382 : memref<32xi32, #tpu.memory_space<vmem>>)
    %dma_wait3A_385 = arith.constant 12 : i32
    %dma_wait3A_386 = arith.constant 12 : i32
    %dma_wait3A_387 = arith.constant 0 : i32
    %dma_wait3A_388 = tpu.memref_slice %arg5[%dma_wait3A_386, %dma_wait3A_387] : memref<20x32xi32, #tpu.memory_space<vmem>> -> memref<1x32xi32, #tpu.memory_space<vmem>>
    %dma_wait3A_389 = tpu.memref_squeeze %dma_wait3A_388 : memref<1x32xi32, #tpu.memory_space<vmem>> -> memref<32xi32, #tpu.memory_space<vmem>>
    %dma_wait3A_390 = tpu.memref_slice %arg2[%dma_wait3A_385, %mul3A_2] : memref<20x1024xi32, #tpu.memory_space<hbm>> -> memref<1x32xi32, #tpu.memory_space<hbm>>
    %dma_wait3A_391 = tpu.memref_squeeze %dma_wait3A_390 : memref<1x32xi32, #tpu.memory_space<hbm>> -> memref<32xi32, #tpu.memory_space<hbm>>
    %dma_wait3A_392 = arith.constant 0 : i32
    %dma_wait3A_393 = tpu.memref_slice %arg5[%dma_wait3A_386, %dma_wait3A_392] : memref<20x32xi32, #tpu.memory_space<vmem>> -> memref<1x32xi32, #tpu.memory_space<vmem>>
    %dma_wait3A_394 = tpu.memref_squeeze %dma_wait3A_393 : memref<1x32xi32, #tpu.memory_space<vmem>> -> memref<32xi32, #tpu.memory_space<vmem>>
    %dma_wait3A_395 = tpu.memref_slice %arg2[%dma_wait3A_385, %mul3A_2] : memref<20x1024xi32, #tpu.memory_space<hbm>> -> memref<1x32xi32, #tpu.memory_space<hbm>>
    %dma_wait3A_396 = tpu.memref_squeeze %dma_wait3A_395 : memref<1x32xi32, #tpu.memory_space<hbm>> -> memref<32xi32, #tpu.memory_space<hbm>>
    tpu.wait_dma2 semaphore(%arg8 : memref<!tpu.dma_semaphore, #tpu.memory_space<semaphore_mem>>) src(%dma_wait3A_396 : memref<32xi32, #tpu.memory_space<hbm>>) dst(%dma_wait3A_394 : memref<32xi32, #tpu.memory_space<vmem>>)
    %dma_wait3A_397 = arith.constant 13 : i32
    %dma_wait3A_398 = arith.constant 13 : i32
    %dma_wait3A_399 = arith.constant 0 : i32
    %dma_wait3A_400 = tpu.memref_slice %arg5[%dma_wait3A_398, %dma_wait3A_399] : memref<20x32xi32, #tpu.memory_space<vmem>> -> memref<1x32xi32, #tpu.memory_space<vmem>>
    %dma_wait3A_401 = tpu.memref_squeeze %dma_wait3A_400 : memref<1x32xi32, #tpu.memory_space<vmem>> -> memref<32xi32, #tpu.memory_space<vmem>>
    %dma_wait3A_402 = tpu.memref_slice %arg2[%dma_wait3A_397, %mul3A_2] : memref<20x1024xi32, #tpu.memory_space<hbm>> -> memref<1x32xi32, #tpu.memory_space<hbm>>
    %dma_wait3A_403 = tpu.memref_squeeze %dma_wait3A_402 : memref<1x32xi32, #tpu.memory_space<hbm>> -> memref<32xi32, #tpu.memory_space<hbm>>
    %dma_wait3A_404 = arith.constant 0 : i32
    %dma_wait3A_405 = tpu.memref_slice %arg5[%dma_wait3A_398, %dma_wait3A_404] : memref<20x32xi32, #tpu.memory_space<vmem>> -> memref<1x32xi32, #tpu.memory_space<vmem>>
    %dma_wait3A_406 = tpu.memref_squeeze %dma_wait3A_405 : memref<1x32xi32, #tpu.memory_space<vmem>> -> memref<32xi32, #tpu.memory_space<vmem>>
    %dma_wait3A_407 = tpu.memref_slice %arg2[%dma_wait3A_397, %mul3A_2] : memref<20x1024xi32, #tpu.memory_space<hbm>> -> memref<1x32xi32, #tpu.memory_space<hbm>>
    %dma_wait3A_408 = tpu.memref_squeeze %dma_wait3A_407 : memref<1x32xi32, #tpu.memory_space<hbm>> -> memref<32xi32, #tpu.memory_space<hbm>>
    tpu.wait_dma2 semaphore(%arg8 : memref<!tpu.dma_semaphore, #tpu.memory_space<semaphore_mem>>) src(%dma_wait3A_408 : memref<32xi32, #tpu.memory_space<hbm>>) dst(%dma_wait3A_406 : memref<32xi32, #tpu.memory_space<vmem>>)
    %dma_wait3A_409 = arith.constant 14 : i32
    %dma_wait3A_410 = arith.constant 14 : i32
    %dma_wait3A_411 = arith.constant 0 : i32
    %dma_wait3A_412 = tpu.memref_slice %arg5[%dma_wait3A_410, %dma_wait3A_411] : memref<20x32xi32, #tpu.memory_space<vmem>> -> memref<1x32xi32, #tpu.memory_space<vmem>>
    %dma_wait3A_413 = tpu.memref_squeeze %dma_wait3A_412 : memref<1x32xi32, #tpu.memory_space<vmem>> -> memref<32xi32, #tpu.memory_space<vmem>>
    %dma_wait3A_414 = tpu.memref_slice %arg2[%dma_wait3A_409, %mul3A_2] : memref<20x1024xi32, #tpu.memory_space<hbm>> -> memref<1x32xi32, #tpu.memory_space<hbm>>
    %dma_wait3A_415 = tpu.memref_squeeze %dma_wait3A_414 : memref<1x32xi32, #tpu.memory_space<hbm>> -> memref<32xi32, #tpu.memory_space<hbm>>
    %dma_wait3A_416 = arith.constant 0 : i32
    %dma_wait3A_417 = tpu.memref_slice %arg5[%dma_wait3A_410, %dma_wait3A_416] : memref<20x32xi32, #tpu.memory_space<vmem>> -> memref<1x32xi32, #tpu.memory_space<vmem>>
    %dma_wait3A_418 = tpu.memref_squeeze %dma_wait3A_417 : memref<1x32xi32, #tpu.memory_space<vmem>> -> memref<32xi32, #tpu.memory_space<vmem>>
    %dma_wait3A_419 = tpu.memref_slice %arg2[%dma_wait3A_409, %mul3A_2] : memref<20x1024xi32, #tpu.memory_space<hbm>> -> memref<1x32xi32, #tpu.memory_space<hbm>>
    %dma_wait3A_420 = tpu.memref_squeeze %dma_wait3A_419 : memref<1x32xi32, #tpu.memory_space<hbm>> -> memref<32xi32, #tpu.memory_space<hbm>>
    tpu.wait_dma2 semaphore(%arg8 : memref<!tpu.dma_semaphore, #tpu.memory_space<semaphore_mem>>) src(%dma_wait3A_420 : memref<32xi32, #tpu.memory_space<hbm>>) dst(%dma_wait3A_418 : memref<32xi32, #tpu.memory_space<vmem>>)
    %dma_wait3A_421 = arith.constant 15 : i32
    %dma_wait3A_422 = arith.constant 15 : i32
    %dma_wait3A_423 = arith.constant 0 : i32
    %dma_wait3A_424 = tpu.memref_slice %arg5[%dma_wait3A_422, %dma_wait3A_423] : memref<20x32xi32, #tpu.memory_space<vmem>> -> memref<1x32xi32, #tpu.memory_space<vmem>>
    %dma_wait3A_425 = tpu.memref_squeeze %dma_wait3A_424 : memref<1x32xi32, #tpu.memory_space<vmem>> -> memref<32xi32, #tpu.memory_space<vmem>>
    %dma_wait3A_426 = tpu.memref_slice %arg2[%dma_wait3A_421, %mul3A_2] : memref<20x1024xi32, #tpu.memory_space<hbm>> -> memref<1x32xi32, #tpu.memory_space<hbm>>
    %dma_wait3A_427 = tpu.memref_squeeze %dma_wait3A_426 : memref<1x32xi32, #tpu.memory_space<hbm>> -> memref<32xi32, #tpu.memory_space<hbm>>
    %dma_wait3A_428 = arith.constant 0 : i32
    %dma_wait3A_429 = tpu.memref_slice %arg5[%dma_wait3A_422, %dma_wait3A_428] : memref<20x32xi32, #tpu.memory_space<vmem>> -> memref<1x32xi32, #tpu.memory_space<vmem>>
    %dma_wait3A_430 = tpu.memref_squeeze %dma_wait3A_429 : memref<1x32xi32, #tpu.memory_space<vmem>> -> memref<32xi32, #tpu.memory_space<vmem>>
    %dma_wait3A_431 = tpu.memref_slice %arg2[%dma_wait3A_421, %mul3A_2] : memref<20x1024xi32, #tpu.memory_space<hbm>> -> memref<1x32xi32, #tpu.memory_space<hbm>>
    %dma_wait3A_432 = tpu.memref_squeeze %dma_wait3A_431 : memref<1x32xi32, #tpu.memory_space<hbm>> -> memref<32xi32, #tpu.memory_space<hbm>>
    tpu.wait_dma2 semaphore(%arg8 : memref<!tpu.dma_semaphore, #tpu.memory_space<semaphore_mem>>) src(%dma_wait3A_432 : memref<32xi32, #tpu.memory_space<hbm>>) dst(%dma_wait3A_430 : memref<32xi32, #tpu.memory_space<vmem>>)
    %dma_wait3A_433 = arith.constant 16 : i32
    %dma_wait3A_434 = arith.constant 16 : i32
    %dma_wait3A_435 = arith.constant 0 : i32
    %dma_wait3A_436 = tpu.memref_slice %arg5[%dma_wait3A_434, %dma_wait3A_435] : memref<20x32xi32, #tpu.memory_space<vmem>> -> memref<1x32xi32, #tpu.memory_space<vmem>>
    %dma_wait3A_437 = tpu.memref_squeeze %dma_wait3A_436 : memref<1x32xi32, #tpu.memory_space<vmem>> -> memref<32xi32, #tpu.memory_space<vmem>>
    %dma_wait3A_438 = tpu.memref_slice %arg2[%dma_wait3A_433, %mul3A_2] : memref<20x1024xi32, #tpu.memory_space<hbm>> -> memref<1x32xi32, #tpu.memory_space<hbm>>
    %dma_wait3A_439 = tpu.memref_squeeze %dma_wait3A_438 : memref<1x32xi32, #tpu.memory_space<hbm>> -> memref<32xi32, #tpu.memory_space<hbm>>
    %dma_wait3A_440 = arith.constant 0 : i32
    %dma_wait3A_441 = tpu.memref_slice %arg5[%dma_wait3A_434, %dma_wait3A_440] : memref<20x32xi32, #tpu.memory_space<vmem>> -> memref<1x32xi32, #tpu.memory_space<vmem>>
    %dma_wait3A_442 = tpu.memref_squeeze %dma_wait3A_441 : memref<1x32xi32, #tpu.memory_space<vmem>> -> memref<32xi32, #tpu.memory_space<vmem>>
    %dma_wait3A_443 = tpu.memref_slice %arg2[%dma_wait3A_433, %mul3A_2] : memref<20x1024xi32, #tpu.memory_space<hbm>> -> memref<1x32xi32, #tpu.memory_space<hbm>>
    %dma_wait3A_444 = tpu.memref_squeeze %dma_wait3A_443 : memref<1x32xi32, #tpu.memory_space<hbm>> -> memref<32xi32, #tpu.memory_space<hbm>>
    tpu.wait_dma2 semaphore(%arg8 : memref<!tpu.dma_semaphore, #tpu.memory_space<semaphore_mem>>) src(%dma_wait3A_444 : memref<32xi32, #tpu.memory_space<hbm>>) dst(%dma_wait3A_442 : memref<32xi32, #tpu.memory_space<vmem>>)
    %dma_wait3A_445 = arith.constant 17 : i32
    %dma_wait3A_446 = arith.constant 17 : i32
    %dma_wait3A_447 = arith.constant 0 : i32
    %dma_wait3A_448 = tpu.memref_slice %arg5[%dma_wait3A_446, %dma_wait3A_447] : memref<20x32xi32, #tpu.memory_space<vmem>> -> memref<1x32xi32, #tpu.memory_space<vmem>>
    %dma_wait3A_449 = tpu.memref_squeeze %dma_wait3A_448 : memref<1x32xi32, #tpu.memory_space<vmem>> -> memref<32xi32, #tpu.memory_space<vmem>>
    %dma_wait3A_450 = tpu.memref_slice %arg2[%dma_wait3A_445, %mul3A_2] : memref<20x1024xi32, #tpu.memory_space<hbm>> -> memref<1x32xi32, #tpu.memory_space<hbm>>
    %dma_wait3A_451 = tpu.memref_squeeze %dma_wait3A_450 : memref<1x32xi32, #tpu.memory_space<hbm>> -> memref<32xi32, #tpu.memory_space<hbm>>
    %dma_wait3A_452 = arith.constant 0 : i32
    %dma_wait3A_453 = tpu.memref_slice %arg5[%dma_wait3A_446, %dma_wait3A_452] : memref<20x32xi32, #tpu.memory_space<vmem>> -> memref<1x32xi32, #tpu.memory_space<vmem>>
    %dma_wait3A_454 = tpu.memref_squeeze %dma_wait3A_453 : memref<1x32xi32, #tpu.memory_space<vmem>> -> memref<32xi32, #tpu.memory_space<vmem>>
    %dma_wait3A_455 = tpu.memref_slice %arg2[%dma_wait3A_445, %mul3A_2] : memref<20x1024xi32, #tpu.memory_space<hbm>> -> memref<1x32xi32, #tpu.memory_space<hbm>>
    %dma_wait3A_456 = tpu.memref_squeeze %dma_wait3A_455 : memref<1x32xi32, #tpu.memory_space<hbm>> -> memref<32xi32, #tpu.memory_space<hbm>>
    tpu.wait_dma2 semaphore(%arg8 : memref<!tpu.dma_semaphore, #tpu.memory_space<semaphore_mem>>) src(%dma_wait3A_456 : memref<32xi32, #tpu.memory_space<hbm>>) dst(%dma_wait3A_454 : memref<32xi32, #tpu.memory_space<vmem>>)
    %dma_wait3A_457 = arith.constant 18 : i32
    %dma_wait3A_458 = arith.constant 18 : i32
    %dma_wait3A_459 = arith.constant 0 : i32
    %dma_wait3A_460 = tpu.memref_slice %arg5[%dma_wait3A_458, %dma_wait3A_459] : memref<20x32xi32, #tpu.memory_space<vmem>> -> memref<1x32xi32, #tpu.memory_space<vmem>>
    %dma_wait3A_461 = tpu.memref_squeeze %dma_wait3A_460 : memref<1x32xi32, #tpu.memory_space<vmem>> -> memref<32xi32, #tpu.memory_space<vmem>>
    %dma_wait3A_462 = tpu.memref_slice %arg2[%dma_wait3A_457, %mul3A_2] : memref<20x1024xi32, #tpu.memory_space<hbm>> -> memref<1x32xi32, #tpu.memory_space<hbm>>
    %dma_wait3A_463 = tpu.memref_squeeze %dma_wait3A_462 : memref<1x32xi32, #tpu.memory_space<hbm>> -> memref<32xi32, #tpu.memory_space<hbm>>
    %dma_wait3A_464 = arith.constant 0 : i32
    %dma_wait3A_465 = tpu.memref_slice %arg5[%dma_wait3A_458, %dma_wait3A_464] : memref<20x32xi32, #tpu.memory_space<vmem>> -> memref<1x32xi32, #tpu.memory_space<vmem>>
    %dma_wait3A_466 = tpu.memref_squeeze %dma_wait3A_465 : memref<1x32xi32, #tpu.memory_space<vmem>> -> memref<32xi32, #tpu.memory_space<vmem>>
    %dma_wait3A_467 = tpu.memref_slice %arg2[%dma_wait3A_457, %mul3A_2] : memref<20x1024xi32, #tpu.memory_space<hbm>> -> memref<1x32xi32, #tpu.memory_space<hbm>>
    %dma_wait3A_468 = tpu.memref_squeeze %dma_wait3A_467 : memref<1x32xi32, #tpu.memory_space<hbm>> -> memref<32xi32, #tpu.memory_space<hbm>>
    tpu.wait_dma2 semaphore(%arg8 : memref<!tpu.dma_semaphore, #tpu.memory_space<semaphore_mem>>) src(%dma_wait3A_468 : memref<32xi32, #tpu.memory_space<hbm>>) dst(%dma_wait3A_466 : memref<32xi32, #tpu.memory_space<vmem>>)
    %dma_wait3A_469 = arith.constant 19 : i32
    %dma_wait3A_470 = arith.constant 19 : i32
    %dma_wait3A_471 = arith.constant 0 : i32
    %dma_wait3A_472 = tpu.memref_slice %arg5[%dma_wait3A_470, %dma_wait3A_471] : memref<20x32xi32, #tpu.memory_space<vmem>> -> memref<1x32xi32, #tpu.memory_space<vmem>>
    %dma_wait3A_473 = tpu.memref_squeeze %dma_wait3A_472 : memref<1x32xi32, #tpu.memory_space<vmem>> -> memref<32xi32, #tpu.memory_space<vmem>>
    %dma_wait3A_474 = tpu.memref_slice %arg2[%dma_wait3A_469, %mul3A_2] : memref<20x1024xi32, #tpu.memory_space<hbm>> -> memref<1x32xi32, #tpu.memory_space<hbm>>
    %dma_wait3A_475 = tpu.memref_squeeze %dma_wait3A_474 : memref<1x32xi32, #tpu.memory_space<hbm>> -> memref<32xi32, #tpu.memory_space<hbm>>
    %dma_wait3A_476 = arith.constant 0 : i32
    %dma_wait3A_477 = tpu.memref_slice %arg5[%dma_wait3A_470, %dma_wait3A_476] : memref<20x32xi32, #tpu.memory_space<vmem>> -> memref<1x32xi32, #tpu.memory_space<vmem>>
    %dma_wait3A_478 = tpu.memref_squeeze %dma_wait3A_477 : memref<1x32xi32, #tpu.memory_space<vmem>> -> memref<32xi32, #tpu.memory_space<vmem>>
    %dma_wait3A_479 = tpu.memref_slice %arg2[%dma_wait3A_469, %mul3A_2] : memref<20x1024xi32, #tpu.memory_space<hbm>> -> memref<1x32xi32, #tpu.memory_space<hbm>>
    %dma_wait3A_480 = tpu.memref_squeeze %dma_wait3A_479 : memref<1x32xi32, #tpu.memory_space<hbm>> -> memref<32xi32, #tpu.memory_space<hbm>>
    tpu.wait_dma2 semaphore(%arg8 : memref<!tpu.dma_semaphore, #tpu.memory_space<semaphore_mem>>) src(%dma_wait3A_480 : memref<32xi32, #tpu.memory_space<hbm>>) dst(%dma_wait3A_478 : memref<32xi32, #tpu.memory_space<vmem>>)
    %dma_start3A_481 = arith.constant 0 : i32
    %dma_start3A_482 = arith.constant 0 : i32
    %dma_start3A_483 = arith.constant 0 : i32
    %dma_start3A_484 = arith.constant 0 : i32
    %dma_start3A_485 = tpu.memref_slice %arg6[%dma_start3A_482, %dma_start3A_483, %dma_start3A_484] : memref<20x32x128xf32, #tpu.memory_space<vmem>> -> memref<1x32x128xf32, #tpu.memory_space<vmem>>
    %dma_start3A_486 = tpu.memref_squeeze %dma_start3A_485 : memref<1x32x128xf32, #tpu.memory_space<vmem>> -> memref<32x128xf32, #tpu.memory_space<vmem>>
    %dma_start3A_487 = arith.constant 0 : i32
    %dma_start3A_488 = tpu.memref_slice %arg5[%dma_start3A_481, %dma_start3A_487] : memref<20x32xi32, #tpu.memory_space<vmem>> -> memref<1x32xi32, #tpu.memory_space<vmem>>
    %dma_start3A_489 = tpu.memref_squeeze %dma_start3A_488 : memref<1x32xi32, #tpu.memory_space<vmem>> -> memref<32xi32, #tpu.memory_space<vmem>>
    %dma_start3A_490 = arith.constant 0 : i32
    %dma_start3A_491 = arith.constant 0 : i32
    %dma_start3A_492 = tpu.memref_slice %arg3[%dma_start3A_490, %dma_start3A_491] : memref<100000x128xf32, #tpu.memory_space<hbm>> -> memref<100000x128xf32, #tpu.memory_space<hbm>>
    tpu.enqueue_indirect_dma source(%dma_start3A_492 : memref<100000x128xf32, #tpu.memory_space<hbm>>) target(%dma_start3A_486 : memref<32x128xf32, #tpu.memory_space<vmem>>) offsets(%dma_start3A_489 : memref<32xi32, #tpu.memory_space<vmem>>) semaphore(%arg8 : memref<!tpu.dma_semaphore, #tpu.memory_space<semaphore_mem>>)
    %dma_start3A_493 = arith.constant 1 : i32
    %dma_start3A_494 = arith.constant 1 : i32
    %dma_start3A_495 = arith.constant 0 : i32
    %dma_start3A_496 = arith.constant 0 : i32
    %dma_start3A_497 = tpu.memref_slice %arg6[%dma_start3A_494, %dma_start3A_495, %dma_start3A_496] : memref<20x32x128xf32, #tpu.memory_space<vmem>> -> memref<1x32x128xf32, #tpu.memory_space<vmem>>
    %dma_start3A_498 = tpu.memref_squeeze %dma_start3A_497 : memref<1x32x128xf32, #tpu.memory_space<vmem>> -> memref<32x128xf32, #tpu.memory_space<vmem>>
    %dma_start3A_499 = arith.constant 0 : i32
    %dma_start3A_500 = tpu.memref_slice %arg5[%dma_start3A_493, %dma_start3A_499] : memref<20x32xi32, #tpu.memory_space<vmem>> -> memref<1x32xi32, #tpu.memory_space<vmem>>
    %dma_start3A_501 = tpu.memref_squeeze %dma_start3A_500 : memref<1x32xi32, #tpu.memory_space<vmem>> -> memref<32xi32, #tpu.memory_space<vmem>>
    %dma_start3A_502 = arith.constant 0 : i32
    %dma_start3A_503 = arith.constant 0 : i32
    %dma_start3A_504 = tpu.memref_slice %arg3[%dma_start3A_502, %dma_start3A_503] : memref<100000x128xf32, #tpu.memory_space<hbm>> -> memref<100000x128xf32, #tpu.memory_space<hbm>>
    tpu.enqueue_indirect_dma source(%dma_start3A_504 : memref<100000x128xf32, #tpu.memory_space<hbm>>) target(%dma_start3A_498 : memref<32x128xf32, #tpu.memory_space<vmem>>) offsets(%dma_start3A_501 : memref<32xi32, #tpu.memory_space<vmem>>) semaphore(%arg8 : memref<!tpu.dma_semaphore, #tpu.memory_space<semaphore_mem>>)
    %dma_start3A_505 = arith.constant 2 : i32
    %dma_start3A_506 = arith.constant 2 : i32
    %dma_start3A_507 = arith.constant 0 : i32
    %dma_start3A_508 = arith.constant 0 : i32
    %dma_start3A_509 = tpu.memref_slice %arg6[%dma_start3A_506, %dma_start3A_507, %dma_start3A_508] : memref<20x32x128xf32, #tpu.memory_space<vmem>> -> memref<1x32x128xf32, #tpu.memory_space<vmem>>
    %dma_start3A_510 = tpu.memref_squeeze %dma_start3A_509 : memref<1x32x128xf32, #tpu.memory_space<vmem>> -> memref<32x128xf32, #tpu.memory_space<vmem>>
    %dma_start3A_511 = arith.constant 0 : i32
    %dma_start3A_512 = tpu.memref_slice %arg5[%dma_start3A_505, %dma_start3A_511] : memref<20x32xi32, #tpu.memory_space<vmem>> -> memref<1x32xi32, #tpu.memory_space<vmem>>
    %dma_start3A_513 = tpu.memref_squeeze %dma_start3A_512 : memref<1x32xi32, #tpu.memory_space<vmem>> -> memref<32xi32, #tpu.memory_space<vmem>>
    %dma_start3A_514 = arith.constant 0 : i32
    %dma_start3A_515 = arith.constant 0 : i32
    %dma_start3A_516 = tpu.memref_slice %arg3[%dma_start3A_514, %dma_start3A_515] : memref<100000x128xf32, #tpu.memory_space<hbm>> -> memref<100000x128xf32, #tpu.memory_space<hbm>>
    tpu.enqueue_indirect_dma source(%dma_start3A_516 : memref<100000x128xf32, #tpu.memory_space<hbm>>) target(%dma_start3A_510 : memref<32x128xf32, #tpu.memory_space<vmem>>) offsets(%dma_start3A_513 : memref<32xi32, #tpu.memory_space<vmem>>) semaphore(%arg8 : memref<!tpu.dma_semaphore, #tpu.memory_space<semaphore_mem>>)
    %dma_start3A_517 = arith.constant 3 : i32
    %dma_start3A_518 = arith.constant 3 : i32
    %dma_start3A_519 = arith.constant 0 : i32
    %dma_start3A_520 = arith.constant 0 : i32
    %dma_start3A_521 = tpu.memref_slice %arg6[%dma_start3A_518, %dma_start3A_519, %dma_start3A_520] : memref<20x32x128xf32, #tpu.memory_space<vmem>> -> memref<1x32x128xf32, #tpu.memory_space<vmem>>
    %dma_start3A_522 = tpu.memref_squeeze %dma_start3A_521 : memref<1x32x128xf32, #tpu.memory_space<vmem>> -> memref<32x128xf32, #tpu.memory_space<vmem>>
    %dma_start3A_523 = arith.constant 0 : i32
    %dma_start3A_524 = tpu.memref_slice %arg5[%dma_start3A_517, %dma_start3A_523] : memref<20x32xi32, #tpu.memory_space<vmem>> -> memref<1x32xi32, #tpu.memory_space<vmem>>
    %dma_start3A_525 = tpu.memref_squeeze %dma_start3A_524 : memref<1x32xi32, #tpu.memory_space<vmem>> -> memref<32xi32, #tpu.memory_space<vmem>>
    %dma_start3A_526 = arith.constant 0 : i32
    %dma_start3A_527 = arith.constant 0 : i32
    %dma_start3A_528 = tpu.memref_slice %arg3[%dma_start3A_526, %dma_start3A_527] : memref<100000x128xf32, #tpu.memory_space<hbm>> -> memref<100000x128xf32, #tpu.memory_space<hbm>>
    tpu.enqueue_indirect_dma source(%dma_start3A_528 : memref<100000x128xf32, #tpu.memory_space<hbm>>) target(%dma_start3A_522 : memref<32x128xf32, #tpu.memory_space<vmem>>) offsets(%dma_start3A_525 : memref<32xi32, #tpu.memory_space<vmem>>) semaphore(%arg8 : memref<!tpu.dma_semaphore, #tpu.memory_space<semaphore_mem>>)
    %dma_start3A_529 = arith.constant 4 : i32
    %dma_start3A_530 = arith.constant 4 : i32
    %dma_start3A_531 = arith.constant 0 : i32
    %dma_start3A_532 = arith.constant 0 : i32
    %dma_start3A_533 = tpu.memref_slice %arg6[%dma_start3A_530, %dma_start3A_531, %dma_start3A_532] : memref<20x32x128xf32, #tpu.memory_space<vmem>> -> memref<1x32x128xf32, #tpu.memory_space<vmem>>
    %dma_start3A_534 = tpu.memref_squeeze %dma_start3A_533 : memref<1x32x128xf32, #tpu.memory_space<vmem>> -> memref<32x128xf32, #tpu.memory_space<vmem>>
    %dma_start3A_535 = arith.constant 0 : i32
    %dma_start3A_536 = tpu.memref_slice %arg5[%dma_start3A_529, %dma_start3A_535] : memref<20x32xi32, #tpu.memory_space<vmem>> -> memref<1x32xi32, #tpu.memory_space<vmem>>
    %dma_start3A_537 = tpu.memref_squeeze %dma_start3A_536 : memref<1x32xi32, #tpu.memory_space<vmem>> -> memref<32xi32, #tpu.memory_space<vmem>>
    %dma_start3A_538 = arith.constant 0 : i32
    %dma_start3A_539 = arith.constant 0 : i32
    %dma_start3A_540 = tpu.memref_slice %arg3[%dma_start3A_538, %dma_start3A_539] : memref<100000x128xf32, #tpu.memory_space<hbm>> -> memref<100000x128xf32, #tpu.memory_space<hbm>>
    tpu.enqueue_indirect_dma source(%dma_start3A_540 : memref<100000x128xf32, #tpu.memory_space<hbm>>) target(%dma_start3A_534 : memref<32x128xf32, #tpu.memory_space<vmem>>) offsets(%dma_start3A_537 : memref<32xi32, #tpu.memory_space<vmem>>) semaphore(%arg8 : memref<!tpu.dma_semaphore, #tpu.memory_space<semaphore_mem>>)
    %dma_start3A_541 = arith.constant 5 : i32
    %dma_start3A_542 = arith.constant 5 : i32
    %dma_start3A_543 = arith.constant 0 : i32
    %dma_start3A_544 = arith.constant 0 : i32
    %dma_start3A_545 = tpu.memref_slice %arg6[%dma_start3A_542, %dma_start3A_543, %dma_start3A_544] : memref<20x32x128xf32, #tpu.memory_space<vmem>> -> memref<1x32x128xf32, #tpu.memory_space<vmem>>
    %dma_start3A_546 = tpu.memref_squeeze %dma_start3A_545 : memref<1x32x128xf32, #tpu.memory_space<vmem>> -> memref<32x128xf32, #tpu.memory_space<vmem>>
    %dma_start3A_547 = arith.constant 0 : i32
    %dma_start3A_548 = tpu.memref_slice %arg5[%dma_start3A_541, %dma_start3A_547] : memref<20x32xi32, #tpu.memory_space<vmem>> -> memref<1x32xi32, #tpu.memory_space<vmem>>
    %dma_start3A_549 = tpu.memref_squeeze %dma_start3A_548 : memref<1x32xi32, #tpu.memory_space<vmem>> -> memref<32xi32, #tpu.memory_space<vmem>>
    %dma_start3A_550 = arith.constant 0 : i32
    %dma_start3A_551 = arith.constant 0 : i32
    %dma_start3A_552 = tpu.memref_slice %arg3[%dma_start3A_550, %dma_start3A_551] : memref<100000x128xf32, #tpu.memory_space<hbm>> -> memref<100000x128xf32, #tpu.memory_space<hbm>>
    tpu.enqueue_indirect_dma source(%dma_start3A_552 : memref<100000x128xf32, #tpu.memory_space<hbm>>) target(%dma_start3A_546 : memref<32x128xf32, #tpu.memory_space<vmem>>) offsets(%dma_start3A_549 : memref<32xi32, #tpu.memory_space<vmem>>) semaphore(%arg8 : memref<!tpu.dma_semaphore, #tpu.memory_space<semaphore_mem>>)
    %dma_start3A_553 = arith.constant 6 : i32
    %dma_start3A_554 = arith.constant 6 : i32
    %dma_start3A_555 = arith.constant 0 : i32
    %dma_start3A_556 = arith.constant 0 : i32
    %dma_start3A_557 = tpu.memref_slice %arg6[%dma_start3A_554, %dma_start3A_555, %dma_start3A_556] : memref<20x32x128xf32, #tpu.memory_space<vmem>> -> memref<1x32x128xf32, #tpu.memory_space<vmem>>
    %dma_start3A_558 = tpu.memref_squeeze %dma_start3A_557 : memref<1x32x128xf32, #tpu.memory_space<vmem>> -> memref<32x128xf32, #tpu.memory_space<vmem>>
    %dma_start3A_559 = arith.constant 0 : i32
    %dma_start3A_560 = tpu.memref_slice %arg5[%dma_start3A_553, %dma_start3A_559] : memref<20x32xi32, #tpu.memory_space<vmem>> -> memref<1x32xi32, #tpu.memory_space<vmem>>
    %dma_start3A_561 = tpu.memref_squeeze %dma_start3A_560 : memref<1x32xi32, #tpu.memory_space<vmem>> -> memref<32xi32, #tpu.memory_space<vmem>>
    %dma_start3A_562 = arith.constant 0 : i32
    %dma_start3A_563 = arith.constant 0 : i32
    %dma_start3A_564 = tpu.memref_slice %arg3[%dma_start3A_562, %dma_start3A_563] : memref<100000x128xf32, #tpu.memory_space<hbm>> -> memref<100000x128xf32, #tpu.memory_space<hbm>>
    tpu.enqueue_indirect_dma source(%dma_start3A_564 : memref<100000x128xf32, #tpu.memory_space<hbm>>) target(%dma_start3A_558 : memref<32x128xf32, #tpu.memory_space<vmem>>) offsets(%dma_start3A_561 : memref<32xi32, #tpu.memory_space<vmem>>) semaphore(%arg8 : memref<!tpu.dma_semaphore, #tpu.memory_space<semaphore_mem>>)
    %dma_start3A_565 = arith.constant 7 : i32
    %dma_start3A_566 = arith.constant 7 : i32
    %dma_start3A_567 = arith.constant 0 : i32
    %dma_start3A_568 = arith.constant 0 : i32
    %dma_start3A_569 = tpu.memref_slice %arg6[%dma_start3A_566, %dma_start3A_567, %dma_start3A_568] : memref<20x32x128xf32, #tpu.memory_space<vmem>> -> memref<1x32x128xf32, #tpu.memory_space<vmem>>
    %dma_start3A_570 = tpu.memref_squeeze %dma_start3A_569 : memref<1x32x128xf32, #tpu.memory_space<vmem>> -> memref<32x128xf32, #tpu.memory_space<vmem>>
    %dma_start3A_571 = arith.constant 0 : i32
    %dma_start3A_572 = tpu.memref_slice %arg5[%dma_start3A_565, %dma_start3A_571] : memref<20x32xi32, #tpu.memory_space<vmem>> -> memref<1x32xi32, #tpu.memory_space<vmem>>
    %dma_start3A_573 = tpu.memref_squeeze %dma_start3A_572 : memref<1x32xi32, #tpu.memory_space<vmem>> -> memref<32xi32, #tpu.memory_space<vmem>>
    %dma_start3A_574 = arith.constant 0 : i32
    %dma_start3A_575 = arith.constant 0 : i32
    %dma_start3A_576 = tpu.memref_slice %arg3[%dma_start3A_574, %dma_start3A_575] : memref<100000x128xf32, #tpu.memory_space<hbm>> -> memref<100000x128xf32, #tpu.memory_space<hbm>>
    tpu.enqueue_indirect_dma source(%dma_start3A_576 : memref<100000x128xf32, #tpu.memory_space<hbm>>) target(%dma_start3A_570 : memref<32x128xf32, #tpu.memory_space<vmem>>) offsets(%dma_start3A_573 : memref<32xi32, #tpu.memory_space<vmem>>) semaphore(%arg8 : memref<!tpu.dma_semaphore, #tpu.memory_space<semaphore_mem>>)
    %dma_start3A_577 = arith.constant 8 : i32
    %dma_start3A_578 = arith.constant 8 : i32
    %dma_start3A_579 = arith.constant 0 : i32
    %dma_start3A_580 = arith.constant 0 : i32
    %dma_start3A_581 = tpu.memref_slice %arg6[%dma_start3A_578, %dma_start3A_579, %dma_start3A_580] : memref<20x32x128xf32, #tpu.memory_space<vmem>> -> memref<1x32x128xf32, #tpu.memory_space<vmem>>
    %dma_start3A_582 = tpu.memref_squeeze %dma_start3A_581 : memref<1x32x128xf32, #tpu.memory_space<vmem>> -> memref<32x128xf32, #tpu.memory_space<vmem>>
    %dma_start3A_583 = arith.constant 0 : i32
    %dma_start3A_584 = tpu.memref_slice %arg5[%dma_start3A_577, %dma_start3A_583] : memref<20x32xi32, #tpu.memory_space<vmem>> -> memref<1x32xi32, #tpu.memory_space<vmem>>
    %dma_start3A_585 = tpu.memref_squeeze %dma_start3A_584 : memref<1x32xi32, #tpu.memory_space<vmem>> -> memref<32xi32, #tpu.memory_space<vmem>>
    %dma_start3A_586 = arith.constant 0 : i32
    %dma_start3A_587 = arith.constant 0 : i32
    %dma_start3A_588 = tpu.memref_slice %arg3[%dma_start3A_586, %dma_start3A_587] : memref<100000x128xf32, #tpu.memory_space<hbm>> -> memref<100000x128xf32, #tpu.memory_space<hbm>>
    tpu.enqueue_indirect_dma source(%dma_start3A_588 : memref<100000x128xf32, #tpu.memory_space<hbm>>) target(%dma_start3A_582 : memref<32x128xf32, #tpu.memory_space<vmem>>) offsets(%dma_start3A_585 : memref<32xi32, #tpu.memory_space<vmem>>) semaphore(%arg8 : memref<!tpu.dma_semaphore, #tpu.memory_space<semaphore_mem>>)
    %dma_start3A_589 = arith.constant 9 : i32
    %dma_start3A_590 = arith.constant 9 : i32
    %dma_start3A_591 = arith.constant 0 : i32
    %dma_start3A_592 = arith.constant 0 : i32
    %dma_start3A_593 = tpu.memref_slice %arg6[%dma_start3A_590, %dma_start3A_591, %dma_start3A_592] : memref<20x32x128xf32, #tpu.memory_space<vmem>> -> memref<1x32x128xf32, #tpu.memory_space<vmem>>
    %dma_start3A_594 = tpu.memref_squeeze %dma_start3A_593 : memref<1x32x128xf32, #tpu.memory_space<vmem>> -> memref<32x128xf32, #tpu.memory_space<vmem>>
    %dma_start3A_595 = arith.constant 0 : i32
    %dma_start3A_596 = tpu.memref_slice %arg5[%dma_start3A_589, %dma_start3A_595] : memref<20x32xi32, #tpu.memory_space<vmem>> -> memref<1x32xi32, #tpu.memory_space<vmem>>
    %dma_start3A_597 = tpu.memref_squeeze %dma_start3A_596 : memref<1x32xi32, #tpu.memory_space<vmem>> -> memref<32xi32, #tpu.memory_space<vmem>>
    %dma_start3A_598 = arith.constant 0 : i32
    %dma_start3A_599 = arith.constant 0 : i32
    %dma_start3A_600 = tpu.memref_slice %arg3[%dma_start3A_598, %dma_start3A_599] : memref<100000x128xf32, #tpu.memory_space<hbm>> -> memref<100000x128xf32, #tpu.memory_space<hbm>>
    tpu.enqueue_indirect_dma source(%dma_start3A_600 : memref<100000x128xf32, #tpu.memory_space<hbm>>) target(%dma_start3A_594 : memref<32x128xf32, #tpu.memory_space<vmem>>) offsets(%dma_start3A_597 : memref<32xi32, #tpu.memory_space<vmem>>) semaphore(%arg8 : memref<!tpu.dma_semaphore, #tpu.memory_space<semaphore_mem>>)
    %dma_start3A_601 = arith.constant 10 : i32
    %dma_start3A_602 = arith.constant 10 : i32
    %dma_start3A_603 = arith.constant 0 : i32
    %dma_start3A_604 = arith.constant 0 : i32
    %dma_start3A_605 = tpu.memref_slice %arg6[%dma_start3A_602, %dma_start3A_603, %dma_start3A_604] : memref<20x32x128xf32, #tpu.memory_space<vmem>> -> memref<1x32x128xf32, #tpu.memory_space<vmem>>
    %dma_start3A_606 = tpu.memref_squeeze %dma_start3A_605 : memref<1x32x128xf32, #tpu.memory_space<vmem>> -> memref<32x128xf32, #tpu.memory_space<vmem>>
    %dma_start3A_607 = arith.constant 0 : i32
    %dma_start3A_608 = tpu.memref_slice %arg5[%dma_start3A_601, %dma_start3A_607] : memref<20x32xi32, #tpu.memory_space<vmem>> -> memref<1x32xi32, #tpu.memory_space<vmem>>
    %dma_start3A_609 = tpu.memref_squeeze %dma_start3A_608 : memref<1x32xi32, #tpu.memory_space<vmem>> -> memref<32xi32, #tpu.memory_space<vmem>>
    %dma_start3A_610 = arith.constant 0 : i32
    %dma_start3A_611 = arith.constant 0 : i32
    %dma_start3A_612 = tpu.memref_slice %arg3[%dma_start3A_610, %dma_start3A_611] : memref<100000x128xf32, #tpu.memory_space<hbm>> -> memref<100000x128xf32, #tpu.memory_space<hbm>>
    tpu.enqueue_indirect_dma source(%dma_start3A_612 : memref<100000x128xf32, #tpu.memory_space<hbm>>) target(%dma_start3A_606 : memref<32x128xf32, #tpu.memory_space<vmem>>) offsets(%dma_start3A_609 : memref<32xi32, #tpu.memory_space<vmem>>) semaphore(%arg8 : memref<!tpu.dma_semaphore, #tpu.memory_space<semaphore_mem>>)
    %dma_start3A_613 = arith.constant 11 : i32
    %dma_start3A_614 = arith.constant 11 : i32
    %dma_start3A_615 = arith.constant 0 : i32
    %dma_start3A_616 = arith.constant 0 : i32
    %dma_start3A_617 = tpu.memref_slice %arg6[%dma_start3A_614, %dma_start3A_615, %dma_start3A_616] : memref<20x32x128xf32, #tpu.memory_space<vmem>> -> memref<1x32x128xf32, #tpu.memory_space<vmem>>
    %dma_start3A_618 = tpu.memref_squeeze %dma_start3A_617 : memref<1x32x128xf32, #tpu.memory_space<vmem>> -> memref<32x128xf32, #tpu.memory_space<vmem>>
    %dma_start3A_619 = arith.constant 0 : i32
    %dma_start3A_620 = tpu.memref_slice %arg5[%dma_start3A_613, %dma_start3A_619] : memref<20x32xi32, #tpu.memory_space<vmem>> -> memref<1x32xi32, #tpu.memory_space<vmem>>
    %dma_start3A_621 = tpu.memref_squeeze %dma_start3A_620 : memref<1x32xi32, #tpu.memory_space<vmem>> -> memref<32xi32, #tpu.memory_space<vmem>>
    %dma_start3A_622 = arith.constant 0 : i32
    %dma_start3A_623 = arith.constant 0 : i32
    %dma_start3A_624 = tpu.memref_slice %arg3[%dma_start3A_622, %dma_start3A_623] : memref<100000x128xf32, #tpu.memory_space<hbm>> -> memref<100000x128xf32, #tpu.memory_space<hbm>>
    tpu.enqueue_indirect_dma source(%dma_start3A_624 : memref<100000x128xf32, #tpu.memory_space<hbm>>) target(%dma_start3A_618 : memref<32x128xf32, #tpu.memory_space<vmem>>) offsets(%dma_start3A_621 : memref<32xi32, #tpu.memory_space<vmem>>) semaphore(%arg8 : memref<!tpu.dma_semaphore, #tpu.memory_space<semaphore_mem>>)
    %dma_start3A_625 = arith.constant 12 : i32
    %dma_start3A_626 = arith.constant 12 : i32
    %dma_start3A_627 = arith.constant 0 : i32
    %dma_start3A_628 = arith.constant 0 : i32
    %dma_start3A_629 = tpu.memref_slice %arg6[%dma_start3A_626, %dma_start3A_627, %dma_start3A_628] : memref<20x32x128xf32, #tpu.memory_space<vmem>> -> memref<1x32x128xf32, #tpu.memory_space<vmem>>
    %dma_start3A_630 = tpu.memref_squeeze %dma_start3A_629 : memref<1x32x128xf32, #tpu.memory_space<vmem>> -> memref<32x128xf32, #tpu.memory_space<vmem>>
    %dma_start3A_631 = arith.constant 0 : i32
    %dma_start3A_632 = tpu.memref_slice %arg5[%dma_start3A_625, %dma_start3A_631] : memref<20x32xi32, #tpu.memory_space<vmem>> -> memref<1x32xi32, #tpu.memory_space<vmem>>
    %dma_start3A_633 = tpu.memref_squeeze %dma_start3A_632 : memref<1x32xi32, #tpu.memory_space<vmem>> -> memref<32xi32, #tpu.memory_space<vmem>>
    %dma_start3A_634 = arith.constant 0 : i32
    %dma_start3A_635 = arith.constant 0 : i32
    %dma_start3A_636 = tpu.memref_slice %arg3[%dma_start3A_634, %dma_start3A_635] : memref<100000x128xf32, #tpu.memory_space<hbm>> -> memref<100000x128xf32, #tpu.memory_space<hbm>>
    tpu.enqueue_indirect_dma source(%dma_start3A_636 : memref<100000x128xf32, #tpu.memory_space<hbm>>) target(%dma_start3A_630 : memref<32x128xf32, #tpu.memory_space<vmem>>) offsets(%dma_start3A_633 : memref<32xi32, #tpu.memory_space<vmem>>) semaphore(%arg8 : memref<!tpu.dma_semaphore, #tpu.memory_space<semaphore_mem>>)
    %dma_start3A_637 = arith.constant 13 : i32
    %dma_start3A_638 = arith.constant 13 : i32
    %dma_start3A_639 = arith.constant 0 : i32
    %dma_start3A_640 = arith.constant 0 : i32
    %dma_start3A_641 = tpu.memref_slice %arg6[%dma_start3A_638, %dma_start3A_639, %dma_start3A_640] : memref<20x32x128xf32, #tpu.memory_space<vmem>> -> memref<1x32x128xf32, #tpu.memory_space<vmem>>
    %dma_start3A_642 = tpu.memref_squeeze %dma_start3A_641 : memref<1x32x128xf32, #tpu.memory_space<vmem>> -> memref<32x128xf32, #tpu.memory_space<vmem>>
    %dma_start3A_643 = arith.constant 0 : i32
    %dma_start3A_644 = tpu.memref_slice %arg5[%dma_start3A_637, %dma_start3A_643] : memref<20x32xi32, #tpu.memory_space<vmem>> -> memref<1x32xi32, #tpu.memory_space<vmem>>
    %dma_start3A_645 = tpu.memref_squeeze %dma_start3A_644 : memref<1x32xi32, #tpu.memory_space<vmem>> -> memref<32xi32, #tpu.memory_space<vmem>>
    %dma_start3A_646 = arith.constant 0 : i32
    %dma_start3A_647 = arith.constant 0 : i32
    %dma_start3A_648 = tpu.memref_slice %arg3[%dma_start3A_646, %dma_start3A_647] : memref<100000x128xf32, #tpu.memory_space<hbm>> -> memref<100000x128xf32, #tpu.memory_space<hbm>>
    tpu.enqueue_indirect_dma source(%dma_start3A_648 : memref<100000x128xf32, #tpu.memory_space<hbm>>) target(%dma_start3A_642 : memref<32x128xf32, #tpu.memory_space<vmem>>) offsets(%dma_start3A_645 : memref<32xi32, #tpu.memory_space<vmem>>) semaphore(%arg8 : memref<!tpu.dma_semaphore, #tpu.memory_space<semaphore_mem>>)
    %dma_start3A_649 = arith.constant 14 : i32
    %dma_start3A_650 = arith.constant 14 : i32
    %dma_start3A_651 = arith.constant 0 : i32
    %dma_start3A_652 = arith.constant 0 : i32
    %dma_start3A_653 = tpu.memref_slice %arg6[%dma_start3A_650, %dma_start3A_651, %dma_start3A_652] : memref<20x32x128xf32, #tpu.memory_space<vmem>> -> memref<1x32x128xf32, #tpu.memory_space<vmem>>
    %dma_start3A_654 = tpu.memref_squeeze %dma_start3A_653 : memref<1x32x128xf32, #tpu.memory_space<vmem>> -> memref<32x128xf32, #tpu.memory_space<vmem>>
    %dma_start3A_655 = arith.constant 0 : i32
    %dma_start3A_656 = tpu.memref_slice %arg5[%dma_start3A_649, %dma_start3A_655] : memref<20x32xi32, #tpu.memory_space<vmem>> -> memref<1x32xi32, #tpu.memory_space<vmem>>
    %dma_start3A_657 = tpu.memref_squeeze %dma_start3A_656 : memref<1x32xi32, #tpu.memory_space<vmem>> -> memref<32xi32, #tpu.memory_space<vmem>>
    %dma_start3A_658 = arith.constant 0 : i32
    %dma_start3A_659 = arith.constant 0 : i32
    %dma_start3A_660 = tpu.memref_slice %arg3[%dma_start3A_658, %dma_start3A_659] : memref<100000x128xf32, #tpu.memory_space<hbm>> -> memref<100000x128xf32, #tpu.memory_space<hbm>>
    tpu.enqueue_indirect_dma source(%dma_start3A_660 : memref<100000x128xf32, #tpu.memory_space<hbm>>) target(%dma_start3A_654 : memref<32x128xf32, #tpu.memory_space<vmem>>) offsets(%dma_start3A_657 : memref<32xi32, #tpu.memory_space<vmem>>) semaphore(%arg8 : memref<!tpu.dma_semaphore, #tpu.memory_space<semaphore_mem>>)
    %dma_start3A_661 = arith.constant 15 : i32
    %dma_start3A_662 = arith.constant 15 : i32
    %dma_start3A_663 = arith.constant 0 : i32
    %dma_start3A_664 = arith.constant 0 : i32
    %dma_start3A_665 = tpu.memref_slice %arg6[%dma_start3A_662, %dma_start3A_663, %dma_start3A_664] : memref<20x32x128xf32, #tpu.memory_space<vmem>> -> memref<1x32x128xf32, #tpu.memory_space<vmem>>
    %dma_start3A_666 = tpu.memref_squeeze %dma_start3A_665 : memref<1x32x128xf32, #tpu.memory_space<vmem>> -> memref<32x128xf32, #tpu.memory_space<vmem>>
    %dma_start3A_667 = arith.constant 0 : i32
    %dma_start3A_668 = tpu.memref_slice %arg5[%dma_start3A_661, %dma_start3A_667] : memref<20x32xi32, #tpu.memory_space<vmem>> -> memref<1x32xi32, #tpu.memory_space<vmem>>
    %dma_start3A_669 = tpu.memref_squeeze %dma_start3A_668 : memref<1x32xi32, #tpu.memory_space<vmem>> -> memref<32xi32, #tpu.memory_space<vmem>>
    %dma_start3A_670 = arith.constant 0 : i32
    %dma_start3A_671 = arith.constant 0 : i32
    %dma_start3A_672 = tpu.memref_slice %arg3[%dma_start3A_670, %dma_start3A_671] : memref<100000x128xf32, #tpu.memory_space<hbm>> -> memref<100000x128xf32, #tpu.memory_space<hbm>>
    tpu.enqueue_indirect_dma source(%dma_start3A_672 : memref<100000x128xf32, #tpu.memory_space<hbm>>) target(%dma_start3A_666 : memref<32x128xf32, #tpu.memory_space<vmem>>) offsets(%dma_start3A_669 : memref<32xi32, #tpu.memory_space<vmem>>) semaphore(%arg8 : memref<!tpu.dma_semaphore, #tpu.memory_space<semaphore_mem>>)
    %dma_start3A_673 = arith.constant 16 : i32
    %dma_start3A_674 = arith.constant 16 : i32
    %dma_start3A_675 = arith.constant 0 : i32
    %dma_start3A_676 = arith.constant 0 : i32
    %dma_start3A_677 = tpu.memref_slice %arg6[%dma_start3A_674, %dma_start3A_675, %dma_start3A_676] : memref<20x32x128xf32, #tpu.memory_space<vmem>> -> memref<1x32x128xf32, #tpu.memory_space<vmem>>
    %dma_start3A_678 = tpu.memref_squeeze %dma_start3A_677 : memref<1x32x128xf32, #tpu.memory_space<vmem>> -> memref<32x128xf32, #tpu.memory_space<vmem>>
    %dma_start3A_679 = arith.constant 0 : i32
    %dma_start3A_680 = tpu.memref_slice %arg5[%dma_start3A_673, %dma_start3A_679] : memref<20x32xi32, #tpu.memory_space<vmem>> -> memref<1x32xi32, #tpu.memory_space<vmem>>
    %dma_start3A_681 = tpu.memref_squeeze %dma_start3A_680 : memref<1x32xi32, #tpu.memory_space<vmem>> -> memref<32xi32, #tpu.memory_space<vmem>>
    %dma_start3A_682 = arith.constant 0 : i32
    %dma_start3A_683 = arith.constant 0 : i32
    %dma_start3A_684 = tpu.memref_slice %arg3[%dma_start3A_682, %dma_start3A_683] : memref<100000x128xf32, #tpu.memory_space<hbm>> -> memref<100000x128xf32, #tpu.memory_space<hbm>>
    tpu.enqueue_indirect_dma source(%dma_start3A_684 : memref<100000x128xf32, #tpu.memory_space<hbm>>) target(%dma_start3A_678 : memref<32x128xf32, #tpu.memory_space<vmem>>) offsets(%dma_start3A_681 : memref<32xi32, #tpu.memory_space<vmem>>) semaphore(%arg8 : memref<!tpu.dma_semaphore, #tpu.memory_space<semaphore_mem>>)
    %dma_start3A_685 = arith.constant 17 : i32
    %dma_start3A_686 = arith.constant 17 : i32
    %dma_start3A_687 = arith.constant 0 : i32
    %dma_start3A_688 = arith.constant 0 : i32
    %dma_start3A_689 = tpu.memref_slice %arg6[%dma_start3A_686, %dma_start3A_687, %dma_start3A_688] : memref<20x32x128xf32, #tpu.memory_space<vmem>> -> memref<1x32x128xf32, #tpu.memory_space<vmem>>
    %dma_start3A_690 = tpu.memref_squeeze %dma_start3A_689 : memref<1x32x128xf32, #tpu.memory_space<vmem>> -> memref<32x128xf32, #tpu.memory_space<vmem>>
    %dma_start3A_691 = arith.constant 0 : i32
    %dma_start3A_692 = tpu.memref_slice %arg5[%dma_start3A_685, %dma_start3A_691] : memref<20x32xi32, #tpu.memory_space<vmem>> -> memref<1x32xi32, #tpu.memory_space<vmem>>
    %dma_start3A_693 = tpu.memref_squeeze %dma_start3A_692 : memref<1x32xi32, #tpu.memory_space<vmem>> -> memref<32xi32, #tpu.memory_space<vmem>>
    %dma_start3A_694 = arith.constant 0 : i32
    %dma_start3A_695 = arith.constant 0 : i32
    %dma_start3A_696 = tpu.memref_slice %arg3[%dma_start3A_694, %dma_start3A_695] : memref<100000x128xf32, #tpu.memory_space<hbm>> -> memref<100000x128xf32, #tpu.memory_space<hbm>>
    tpu.enqueue_indirect_dma source(%dma_start3A_696 : memref<100000x128xf32, #tpu.memory_space<hbm>>) target(%dma_start3A_690 : memref<32x128xf32, #tpu.memory_space<vmem>>) offsets(%dma_start3A_693 : memref<32xi32, #tpu.memory_space<vmem>>) semaphore(%arg8 : memref<!tpu.dma_semaphore, #tpu.memory_space<semaphore_mem>>)
    %dma_start3A_697 = arith.constant 18 : i32
    %dma_start3A_698 = arith.constant 18 : i32
    %dma_start3A_699 = arith.constant 0 : i32
    %dma_start3A_700 = arith.constant 0 : i32
    %dma_start3A_701 = tpu.memref_slice %arg6[%dma_start3A_698, %dma_start3A_699, %dma_start3A_700] : memref<20x32x128xf32, #tpu.memory_space<vmem>> -> memref<1x32x128xf32, #tpu.memory_space<vmem>>
    %dma_start3A_702 = tpu.memref_squeeze %dma_start3A_701 : memref<1x32x128xf32, #tpu.memory_space<vmem>> -> memref<32x128xf32, #tpu.memory_space<vmem>>
    %dma_start3A_703 = arith.constant 0 : i32
    %dma_start3A_704 = tpu.memref_slice %arg5[%dma_start3A_697, %dma_start3A_703] : memref<20x32xi32, #tpu.memory_space<vmem>> -> memref<1x32xi32, #tpu.memory_space<vmem>>
    %dma_start3A_705 = tpu.memref_squeeze %dma_start3A_704 : memref<1x32xi32, #tpu.memory_space<vmem>> -> memref<32xi32, #tpu.memory_space<vmem>>
    %dma_start3A_706 = arith.constant 0 : i32
    %dma_start3A_707 = arith.constant 0 : i32
    %dma_start3A_708 = tpu.memref_slice %arg3[%dma_start3A_706, %dma_start3A_707] : memref<100000x128xf32, #tpu.memory_space<hbm>> -> memref<100000x128xf32, #tpu.memory_space<hbm>>
    tpu.enqueue_indirect_dma source(%dma_start3A_708 : memref<100000x128xf32, #tpu.memory_space<hbm>>) target(%dma_start3A_702 : memref<32x128xf32, #tpu.memory_space<vmem>>) offsets(%dma_start3A_705 : memref<32xi32, #tpu.memory_space<vmem>>) semaphore(%arg8 : memref<!tpu.dma_semaphore, #tpu.memory_space<semaphore_mem>>)
    %dma_start3A_709 = arith.constant 19 : i32
    %dma_start3A_710 = arith.constant 19 : i32
    %dma_start3A_711 = arith.constant 0 : i32
    %dma_start3A_712 = arith.constant 0 : i32
    %dma_start3A_713 = tpu.memref_slice %arg6[%dma_start3A_710, %dma_start3A_711, %dma_start3A_712] : memref<20x32x128xf32, #tpu.memory_space<vmem>> -> memref<1x32x128xf32, #tpu.memory_space<vmem>>
    %dma_start3A_714 = tpu.memref_squeeze %dma_start3A_713 : memref<1x32x128xf32, #tpu.memory_space<vmem>> -> memref<32x128xf32, #tpu.memory_space<vmem>>
    %dma_start3A_715 = arith.constant 0 : i32
    %dma_start3A_716 = tpu.memref_slice %arg5[%dma_start3A_709, %dma_start3A_715] : memref<20x32xi32, #tpu.memory_space<vmem>> -> memref<1x32xi32, #tpu.memory_space<vmem>>
    %dma_start3A_717 = tpu.memref_squeeze %dma_start3A_716 : memref<1x32xi32, #tpu.memory_space<vmem>> -> memref<32xi32, #tpu.memory_space<vmem>>
    %dma_start3A_718 = arith.constant 0 : i32
    %dma_start3A_719 = arith.constant 0 : i32
    %dma_start3A_720 = tpu.memref_slice %arg3[%dma_start3A_718, %dma_start3A_719] : memref<100000x128xf32, #tpu.memory_space<hbm>> -> memref<100000x128xf32, #tpu.memory_space<hbm>>
    tpu.enqueue_indirect_dma source(%dma_start3A_720 : memref<100000x128xf32, #tpu.memory_space<hbm>>) target(%dma_start3A_714 : memref<32x128xf32, #tpu.memory_space<vmem>>) offsets(%dma_start3A_717 : memref<32xi32, #tpu.memory_space<vmem>>) semaphore(%arg8 : memref<!tpu.dma_semaphore, #tpu.memory_space<semaphore_mem>>)
    %dma_wait3A_721 = arith.constant 0 : i32
    %dma_wait3A_722 = arith.constant 0 : i32
    %dma_wait3A_723 = arith.constant 0 : i32
    %dma_wait3A_724 = arith.constant 0 : i32
    %dma_wait3A_725 = tpu.memref_slice %arg6[%dma_wait3A_722, %dma_wait3A_723, %dma_wait3A_724] : memref<20x32x128xf32, #tpu.memory_space<vmem>> -> memref<1x32x128xf32, #tpu.memory_space<vmem>>
    %dma_wait3A_726 = tpu.memref_squeeze %dma_wait3A_725 : memref<1x32x128xf32, #tpu.memory_space<vmem>> -> memref<32x128xf32, #tpu.memory_space<vmem>>
    %dma_wait3A_727 = arith.constant 0 : i32
    %dma_wait3A_728 = tpu.memref_slice %arg5[%dma_wait3A_721, %dma_wait3A_727] : memref<20x32xi32, #tpu.memory_space<vmem>> -> memref<1x32xi32, #tpu.memory_space<vmem>>
    %dma_wait3A_729 = tpu.memref_squeeze %dma_wait3A_728 : memref<1x32xi32, #tpu.memory_space<vmem>> -> memref<32xi32, #tpu.memory_space<vmem>>
    %dma_wait3A_730 = arith.constant 0 : i32
    %dma_wait3A_731 = arith.constant 0 : i32
    %dma_wait3A_732 = tpu.memref_slice %arg3[%dma_wait3A_730, %dma_wait3A_731] : memref<100000x128xf32, #tpu.memory_space<hbm>> -> memref<100000x128xf32, #tpu.memory_space<hbm>>
    tpu.wait_indirect_dma semaphore(%arg8 : memref<!tpu.dma_semaphore, #tpu.memory_space<semaphore_mem>>) src(%dma_wait3A_732 : memref<100000x128xf32, #tpu.memory_space<hbm>>) dst(%dma_wait3A_726 : memref<32x128xf32, #tpu.memory_space<vmem>>)
    %dma_wait3A_733 = arith.constant 1 : i32
    %dma_wait3A_734 = arith.constant 1 : i32
    %dma_wait3A_735 = arith.constant 0 : i32
    %dma_wait3A_736 = arith.constant 0 : i32
    %dma_wait3A_737 = tpu.memref_slice %arg6[%dma_wait3A_734, %dma_wait3A_735, %dma_wait3A_736] : memref<20x32x128xf32, #tpu.memory_space<vmem>> -> memref<1x32x128xf32, #tpu.memory_space<vmem>>
    %dma_wait3A_738 = tpu.memref_squeeze %dma_wait3A_737 : memref<1x32x128xf32, #tpu.memory_space<vmem>> -> memref<32x128xf32, #tpu.memory_space<vmem>>
    %dma_wait3A_739 = arith.constant 0 : i32
    %dma_wait3A_740 = tpu.memref_slice %arg5[%dma_wait3A_733, %dma_wait3A_739] : memref<20x32xi32, #tpu.memory_space<vmem>> -> memref<1x32xi32, #tpu.memory_space<vmem>>
    %dma_wait3A_741 = tpu.memref_squeeze %dma_wait3A_740 : memref<1x32xi32, #tpu.memory_space<vmem>> -> memref<32xi32, #tpu.memory_space<vmem>>
    %dma_wait3A_742 = arith.constant 0 : i32
    %dma_wait3A_743 = arith.constant 0 : i32
    %dma_wait3A_744 = tpu.memref_slice %arg3[%dma_wait3A_742, %dma_wait3A_743] : memref<100000x128xf32, #tpu.memory_space<hbm>> -> memref<100000x128xf32, #tpu.memory_space<hbm>>
    tpu.wait_indirect_dma semaphore(%arg8 : memref<!tpu.dma_semaphore, #tpu.memory_space<semaphore_mem>>) src(%dma_wait3A_744 : memref<100000x128xf32, #tpu.memory_space<hbm>>) dst(%dma_wait3A_738 : memref<32x128xf32, #tpu.memory_space<vmem>>)
    %dma_wait3A_745 = arith.constant 2 : i32
    %dma_wait3A_746 = arith.constant 2 : i32
    %dma_wait3A_747 = arith.constant 0 : i32
    %dma_wait3A_748 = arith.constant 0 : i32
    %dma_wait3A_749 = tpu.memref_slice %arg6[%dma_wait3A_746, %dma_wait3A_747, %dma_wait3A_748] : memref<20x32x128xf32, #tpu.memory_space<vmem>> -> memref<1x32x128xf32, #tpu.memory_space<vmem>>
    %dma_wait3A_750 = tpu.memref_squeeze %dma_wait3A_749 : memref<1x32x128xf32, #tpu.memory_space<vmem>> -> memref<32x128xf32, #tpu.memory_space<vmem>>
    %dma_wait3A_751 = arith.constant 0 : i32
    %dma_wait3A_752 = tpu.memref_slice %arg5[%dma_wait3A_745, %dma_wait3A_751] : memref<20x32xi32, #tpu.memory_space<vmem>> -> memref<1x32xi32, #tpu.memory_space<vmem>>
    %dma_wait3A_753 = tpu.memref_squeeze %dma_wait3A_752 : memref<1x32xi32, #tpu.memory_space<vmem>> -> memref<32xi32, #tpu.memory_space<vmem>>
    %dma_wait3A_754 = arith.constant 0 : i32
    %dma_wait3A_755 = arith.constant 0 : i32
    %dma_wait3A_756 = tpu.memref_slice %arg3[%dma_wait3A_754, %dma_wait3A_755] : memref<100000x128xf32, #tpu.memory_space<hbm>> -> memref<100000x128xf32, #tpu.memory_space<hbm>>
    tpu.wait_indirect_dma semaphore(%arg8 : memref<!tpu.dma_semaphore, #tpu.memory_space<semaphore_mem>>) src(%dma_wait3A_756 : memref<100000x128xf32, #tpu.memory_space<hbm>>) dst(%dma_wait3A_750 : memref<32x128xf32, #tpu.memory_space<vmem>>)
    %dma_wait3A_757 = arith.constant 3 : i32
    %dma_wait3A_758 = arith.constant 3 : i32
    %dma_wait3A_759 = arith.constant 0 : i32
    %dma_wait3A_760 = arith.constant 0 : i32
    %dma_wait3A_761 = tpu.memref_slice %arg6[%dma_wait3A_758, %dma_wait3A_759, %dma_wait3A_760] : memref<20x32x128xf32, #tpu.memory_space<vmem>> -> memref<1x32x128xf32, #tpu.memory_space<vmem>>
    %dma_wait3A_762 = tpu.memref_squeeze %dma_wait3A_761 : memref<1x32x128xf32, #tpu.memory_space<vmem>> -> memref<32x128xf32, #tpu.memory_space<vmem>>
    %dma_wait3A_763 = arith.constant 0 : i32
    %dma_wait3A_764 = tpu.memref_slice %arg5[%dma_wait3A_757, %dma_wait3A_763] : memref<20x32xi32, #tpu.memory_space<vmem>> -> memref<1x32xi32, #tpu.memory_space<vmem>>
    %dma_wait3A_765 = tpu.memref_squeeze %dma_wait3A_764 : memref<1x32xi32, #tpu.memory_space<vmem>> -> memref<32xi32, #tpu.memory_space<vmem>>
    %dma_wait3A_766 = arith.constant 0 : i32
    %dma_wait3A_767 = arith.constant 0 : i32
    %dma_wait3A_768 = tpu.memref_slice %arg3[%dma_wait3A_766, %dma_wait3A_767] : memref<100000x128xf32, #tpu.memory_space<hbm>> -> memref<100000x128xf32, #tpu.memory_space<hbm>>
    tpu.wait_indirect_dma semaphore(%arg8 : memref<!tpu.dma_semaphore, #tpu.memory_space<semaphore_mem>>) src(%dma_wait3A_768 : memref<100000x128xf32, #tpu.memory_space<hbm>>) dst(%dma_wait3A_762 : memref<32x128xf32, #tpu.memory_space<vmem>>)
    %dma_wait3A_769 = arith.constant 4 : i32
    %dma_wait3A_770 = arith.constant 4 : i32
    %dma_wait3A_771 = arith.constant 0 : i32
    %dma_wait3A_772 = arith.constant 0 : i32
    %dma_wait3A_773 = tpu.memref_slice %arg6[%dma_wait3A_770, %dma_wait3A_771, %dma_wait3A_772] : memref<20x32x128xf32, #tpu.memory_space<vmem>> -> memref<1x32x128xf32, #tpu.memory_space<vmem>>
    %dma_wait3A_774 = tpu.memref_squeeze %dma_wait3A_773 : memref<1x32x128xf32, #tpu.memory_space<vmem>> -> memref<32x128xf32, #tpu.memory_space<vmem>>
    %dma_wait3A_775 = arith.constant 0 : i32
    %dma_wait3A_776 = tpu.memref_slice %arg5[%dma_wait3A_769, %dma_wait3A_775] : memref<20x32xi32, #tpu.memory_space<vmem>> -> memref<1x32xi32, #tpu.memory_space<vmem>>
    %dma_wait3A_777 = tpu.memref_squeeze %dma_wait3A_776 : memref<1x32xi32, #tpu.memory_space<vmem>> -> memref<32xi32, #tpu.memory_space<vmem>>
    %dma_wait3A_778 = arith.constant 0 : i32
    %dma_wait3A_779 = arith.constant 0 : i32
    %dma_wait3A_780 = tpu.memref_slice %arg3[%dma_wait3A_778, %dma_wait3A_779] : memref<100000x128xf32, #tpu.memory_space<hbm>> -> memref<100000x128xf32, #tpu.memory_space<hbm>>
    tpu.wait_indirect_dma semaphore(%arg8 : memref<!tpu.dma_semaphore, #tpu.memory_space<semaphore_mem>>) src(%dma_wait3A_780 : memref<100000x128xf32, #tpu.memory_space<hbm>>) dst(%dma_wait3A_774 : memref<32x128xf32, #tpu.memory_space<vmem>>)
    %dma_wait3A_781 = arith.constant 5 : i32
    %dma_wait3A_782 = arith.constant 5 : i32
    %dma_wait3A_783 = arith.constant 0 : i32
    %dma_wait3A_784 = arith.constant 0 : i32
    %dma_wait3A_785 = tpu.memref_slice %arg6[%dma_wait3A_782, %dma_wait3A_783, %dma_wait3A_784] : memref<20x32x128xf32, #tpu.memory_space<vmem>> -> memref<1x32x128xf32, #tpu.memory_space<vmem>>
    %dma_wait3A_786 = tpu.memref_squeeze %dma_wait3A_785 : memref<1x32x128xf32, #tpu.memory_space<vmem>> -> memref<32x128xf32, #tpu.memory_space<vmem>>
    %dma_wait3A_787 = arith.constant 0 : i32
    %dma_wait3A_788 = tpu.memref_slice %arg5[%dma_wait3A_781, %dma_wait3A_787] : memref<20x32xi32, #tpu.memory_space<vmem>> -> memref<1x32xi32, #tpu.memory_space<vmem>>
    %dma_wait3A_789 = tpu.memref_squeeze %dma_wait3A_788 : memref<1x32xi32, #tpu.memory_space<vmem>> -> memref<32xi32, #tpu.memory_space<vmem>>
    %dma_wait3A_790 = arith.constant 0 : i32
    %dma_wait3A_791 = arith.constant 0 : i32
    %dma_wait3A_792 = tpu.memref_slice %arg3[%dma_wait3A_790, %dma_wait3A_791] : memref<100000x128xf32, #tpu.memory_space<hbm>> -> memref<100000x128xf32, #tpu.memory_space<hbm>>
    tpu.wait_indirect_dma semaphore(%arg8 : memref<!tpu.dma_semaphore, #tpu.memory_space<semaphore_mem>>) src(%dma_wait3A_792 : memref<100000x128xf32, #tpu.memory_space<hbm>>) dst(%dma_wait3A_786 : memref<32x128xf32, #tpu.memory_space<vmem>>)
    %dma_wait3A_793 = arith.constant 6 : i32
    %dma_wait3A_794 = arith.constant 6 : i32
    %dma_wait3A_795 = arith.constant 0 : i32
    %dma_wait3A_796 = arith.constant 0 : i32
    %dma_wait3A_797 = tpu.memref_slice %arg6[%dma_wait3A_794, %dma_wait3A_795, %dma_wait3A_796] : memref<20x32x128xf32, #tpu.memory_space<vmem>> -> memref<1x32x128xf32, #tpu.memory_space<vmem>>
    %dma_wait3A_798 = tpu.memref_squeeze %dma_wait3A_797 : memref<1x32x128xf32, #tpu.memory_space<vmem>> -> memref<32x128xf32, #tpu.memory_space<vmem>>
    %dma_wait3A_799 = arith.constant 0 : i32
    %dma_wait3A_800 = tpu.memref_slice %arg5[%dma_wait3A_793, %dma_wait3A_799] : memref<20x32xi32, #tpu.memory_space<vmem>> -> memref<1x32xi32, #tpu.memory_space<vmem>>
    %dma_wait3A_801 = tpu.memref_squeeze %dma_wait3A_800 : memref<1x32xi32, #tpu.memory_space<vmem>> -> memref<32xi32, #tpu.memory_space<vmem>>
    %dma_wait3A_802 = arith.constant 0 : i32
    %dma_wait3A_803 = arith.constant 0 : i32
    %dma_wait3A_804 = tpu.memref_slice %arg3[%dma_wait3A_802, %dma_wait3A_803] : memref<100000x128xf32, #tpu.memory_space<hbm>> -> memref<100000x128xf32, #tpu.memory_space<hbm>>
    tpu.wait_indirect_dma semaphore(%arg8 : memref<!tpu.dma_semaphore, #tpu.memory_space<semaphore_mem>>) src(%dma_wait3A_804 : memref<100000x128xf32, #tpu.memory_space<hbm>>) dst(%dma_wait3A_798 : memref<32x128xf32, #tpu.memory_space<vmem>>)
    %dma_wait3A_805 = arith.constant 7 : i32
    %dma_wait3A_806 = arith.constant 7 : i32
    %dma_wait3A_807 = arith.constant 0 : i32
    %dma_wait3A_808 = arith.constant 0 : i32
    %dma_wait3A_809 = tpu.memref_slice %arg6[%dma_wait3A_806, %dma_wait3A_807, %dma_wait3A_808] : memref<20x32x128xf32, #tpu.memory_space<vmem>> -> memref<1x32x128xf32, #tpu.memory_space<vmem>>
    %dma_wait3A_810 = tpu.memref_squeeze %dma_wait3A_809 : memref<1x32x128xf32, #tpu.memory_space<vmem>> -> memref<32x128xf32, #tpu.memory_space<vmem>>
    %dma_wait3A_811 = arith.constant 0 : i32
    %dma_wait3A_812 = tpu.memref_slice %arg5[%dma_wait3A_805, %dma_wait3A_811] : memref<20x32xi32, #tpu.memory_space<vmem>> -> memref<1x32xi32, #tpu.memory_space<vmem>>
    %dma_wait3A_813 = tpu.memref_squeeze %dma_wait3A_812 : memref<1x32xi32, #tpu.memory_space<vmem>> -> memref<32xi32, #tpu.memory_space<vmem>>
    %dma_wait3A_814 = arith.constant 0 : i32
    %dma_wait3A_815 = arith.constant 0 : i32
    %dma_wait3A_816 = tpu.memref_slice %arg3[%dma_wait3A_814, %dma_wait3A_815] : memref<100000x128xf32, #tpu.memory_space<hbm>> -> memref<100000x128xf32, #tpu.memory_space<hbm>>
    tpu.wait_indirect_dma semaphore(%arg8 : memref<!tpu.dma_semaphore, #tpu.memory_space<semaphore_mem>>) src(%dma_wait3A_816 : memref<100000x128xf32, #tpu.memory_space<hbm>>) dst(%dma_wait3A_810 : memref<32x128xf32, #tpu.memory_space<vmem>>)
    %dma_wait3A_817 = arith.constant 8 : i32
    %dma_wait3A_818 = arith.constant 8 : i32
    %dma_wait3A_819 = arith.constant 0 : i32
    %dma_wait3A_820 = arith.constant 0 : i32
    %dma_wait3A_821 = tpu.memref_slice %arg6[%dma_wait3A_818, %dma_wait3A_819, %dma_wait3A_820] : memref<20x32x128xf32, #tpu.memory_space<vmem>> -> memref<1x32x128xf32, #tpu.memory_space<vmem>>
    %dma_wait3A_822 = tpu.memref_squeeze %dma_wait3A_821 : memref<1x32x128xf32, #tpu.memory_space<vmem>> -> memref<32x128xf32, #tpu.memory_space<vmem>>
    %dma_wait3A_823 = arith.constant 0 : i32
    %dma_wait3A_824 = tpu.memref_slice %arg5[%dma_wait3A_817, %dma_wait3A_823] : memref<20x32xi32, #tpu.memory_space<vmem>> -> memref<1x32xi32, #tpu.memory_space<vmem>>
    %dma_wait3A_825 = tpu.memref_squeeze %dma_wait3A_824 : memref<1x32xi32, #tpu.memory_space<vmem>> -> memref<32xi32, #tpu.memory_space<vmem>>
    %dma_wait3A_826 = arith.constant 0 : i32
    %dma_wait3A_827 = arith.constant 0 : i32
    %dma_wait3A_828 = tpu.memref_slice %arg3[%dma_wait3A_826, %dma_wait3A_827] : memref<100000x128xf32, #tpu.memory_space<hbm>> -> memref<100000x128xf32, #tpu.memory_space<hbm>>
    tpu.wait_indirect_dma semaphore(%arg8 : memref<!tpu.dma_semaphore, #tpu.memory_space<semaphore_mem>>) src(%dma_wait3A_828 : memref<100000x128xf32, #tpu.memory_space<hbm>>) dst(%dma_wait3A_822 : memref<32x128xf32, #tpu.memory_space<vmem>>)
    %dma_wait3A_829 = arith.constant 9 : i32
    %dma_wait3A_830 = arith.constant 9 : i32
    %dma_wait3A_831 = arith.constant 0 : i32
    %dma_wait3A_832 = arith.constant 0 : i32
    %dma_wait3A_833 = tpu.memref_slice %arg6[%dma_wait3A_830, %dma_wait3A_831, %dma_wait3A_832] : memref<20x32x128xf32, #tpu.memory_space<vmem>> -> memref<1x32x128xf32, #tpu.memory_space<vmem>>
    %dma_wait3A_834 = tpu.memref_squeeze %dma_wait3A_833 : memref<1x32x128xf32, #tpu.memory_space<vmem>> -> memref<32x128xf32, #tpu.memory_space<vmem>>
    %dma_wait3A_835 = arith.constant 0 : i32
    %dma_wait3A_836 = tpu.memref_slice %arg5[%dma_wait3A_829, %dma_wait3A_835] : memref<20x32xi32, #tpu.memory_space<vmem>> -> memref<1x32xi32, #tpu.memory_space<vmem>>
    %dma_wait3A_837 = tpu.memref_squeeze %dma_wait3A_836 : memref<1x32xi32, #tpu.memory_space<vmem>> -> memref<32xi32, #tpu.memory_space<vmem>>
    %dma_wait3A_838 = arith.constant 0 : i32
    %dma_wait3A_839 = arith.constant 0 : i32
    %dma_wait3A_840 = tpu.memref_slice %arg3[%dma_wait3A_838, %dma_wait3A_839] : memref<100000x128xf32, #tpu.memory_space<hbm>> -> memref<100000x128xf32, #tpu.memory_space<hbm>>
    tpu.wait_indirect_dma semaphore(%arg8 : memref<!tpu.dma_semaphore, #tpu.memory_space<semaphore_mem>>) src(%dma_wait3A_840 : memref<100000x128xf32, #tpu.memory_space<hbm>>) dst(%dma_wait3A_834 : memref<32x128xf32, #tpu.memory_space<vmem>>)
    %dma_wait3A_841 = arith.constant 10 : i32
    %dma_wait3A_842 = arith.constant 10 : i32
    %dma_wait3A_843 = arith.constant 0 : i32
    %dma_wait3A_844 = arith.constant 0 : i32
    %dma_wait3A_845 = tpu.memref_slice %arg6[%dma_wait3A_842, %dma_wait3A_843, %dma_wait3A_844] : memref<20x32x128xf32, #tpu.memory_space<vmem>> -> memref<1x32x128xf32, #tpu.memory_space<vmem>>
    %dma_wait3A_846 = tpu.memref_squeeze %dma_wait3A_845 : memref<1x32x128xf32, #tpu.memory_space<vmem>> -> memref<32x128xf32, #tpu.memory_space<vmem>>
    %dma_wait3A_847 = arith.constant 0 : i32
    %dma_wait3A_848 = tpu.memref_slice %arg5[%dma_wait3A_841, %dma_wait3A_847] : memref<20x32xi32, #tpu.memory_space<vmem>> -> memref<1x32xi32, #tpu.memory_space<vmem>>
    %dma_wait3A_849 = tpu.memref_squeeze %dma_wait3A_848 : memref<1x32xi32, #tpu.memory_space<vmem>> -> memref<32xi32, #tpu.memory_space<vmem>>
    %dma_wait3A_850 = arith.constant 0 : i32
    %dma_wait3A_851 = arith.constant 0 : i32
    %dma_wait3A_852 = tpu.memref_slice %arg3[%dma_wait3A_850, %dma_wait3A_851] : memref<100000x128xf32, #tpu.memory_space<hbm>> -> memref<100000x128xf32, #tpu.memory_space<hbm>>
    tpu.wait_indirect_dma semaphore(%arg8 : memref<!tpu.dma_semaphore, #tpu.memory_space<semaphore_mem>>) src(%dma_wait3A_852 : memref<100000x128xf32, #tpu.memory_space<hbm>>) dst(%dma_wait3A_846 : memref<32x128xf32, #tpu.memory_space<vmem>>)
    %dma_wait3A_853 = arith.constant 11 : i32
    %dma_wait3A_854 = arith.constant 11 : i32
    %dma_wait3A_855 = arith.constant 0 : i32
    %dma_wait3A_856 = arith.constant 0 : i32
    %dma_wait3A_857 = tpu.memref_slice %arg6[%dma_wait3A_854, %dma_wait3A_855, %dma_wait3A_856] : memref<20x32x128xf32, #tpu.memory_space<vmem>> -> memref<1x32x128xf32, #tpu.memory_space<vmem>>
    %dma_wait3A_858 = tpu.memref_squeeze %dma_wait3A_857 : memref<1x32x128xf32, #tpu.memory_space<vmem>> -> memref<32x128xf32, #tpu.memory_space<vmem>>
    %dma_wait3A_859 = arith.constant 0 : i32
    %dma_wait3A_860 = tpu.memref_slice %arg5[%dma_wait3A_853, %dma_wait3A_859] : memref<20x32xi32, #tpu.memory_space<vmem>> -> memref<1x32xi32, #tpu.memory_space<vmem>>
    %dma_wait3A_861 = tpu.memref_squeeze %dma_wait3A_860 : memref<1x32xi32, #tpu.memory_space<vmem>> -> memref<32xi32, #tpu.memory_space<vmem>>
    %dma_wait3A_862 = arith.constant 0 : i32
    %dma_wait3A_863 = arith.constant 0 : i32
    %dma_wait3A_864 = tpu.memref_slice %arg3[%dma_wait3A_862, %dma_wait3A_863] : memref<100000x128xf32, #tpu.memory_space<hbm>> -> memref<100000x128xf32, #tpu.memory_space<hbm>>
    tpu.wait_indirect_dma semaphore(%arg8 : memref<!tpu.dma_semaphore, #tpu.memory_space<semaphore_mem>>) src(%dma_wait3A_864 : memref<100000x128xf32, #tpu.memory_space<hbm>>) dst(%dma_wait3A_858 : memref<32x128xf32, #tpu.memory_space<vmem>>)
    %dma_wait3A_865 = arith.constant 12 : i32
    %dma_wait3A_866 = arith.constant 12 : i32
    %dma_wait3A_867 = arith.constant 0 : i32
    %dma_wait3A_868 = arith.constant 0 : i32
    %dma_wait3A_869 = tpu.memref_slice %arg6[%dma_wait3A_866, %dma_wait3A_867, %dma_wait3A_868] : memref<20x32x128xf32, #tpu.memory_space<vmem>> -> memref<1x32x128xf32, #tpu.memory_space<vmem>>
    %dma_wait3A_870 = tpu.memref_squeeze %dma_wait3A_869 : memref<1x32x128xf32, #tpu.memory_space<vmem>> -> memref<32x128xf32, #tpu.memory_space<vmem>>
    %dma_wait3A_871 = arith.constant 0 : i32
    %dma_wait3A_872 = tpu.memref_slice %arg5[%dma_wait3A_865, %dma_wait3A_871] : memref<20x32xi32, #tpu.memory_space<vmem>> -> memref<1x32xi32, #tpu.memory_space<vmem>>
    %dma_wait3A_873 = tpu.memref_squeeze %dma_wait3A_872 : memref<1x32xi32, #tpu.memory_space<vmem>> -> memref<32xi32, #tpu.memory_space<vmem>>
    %dma_wait3A_874 = arith.constant 0 : i32
    %dma_wait3A_875 = arith.constant 0 : i32
    %dma_wait3A_876 = tpu.memref_slice %arg3[%dma_wait3A_874, %dma_wait3A_875] : memref<100000x128xf32, #tpu.memory_space<hbm>> -> memref<100000x128xf32, #tpu.memory_space<hbm>>
    tpu.wait_indirect_dma semaphore(%arg8 : memref<!tpu.dma_semaphore, #tpu.memory_space<semaphore_mem>>) src(%dma_wait3A_876 : memref<100000x128xf32, #tpu.memory_space<hbm>>) dst(%dma_wait3A_870 : memref<32x128xf32, #tpu.memory_space<vmem>>)
    %dma_wait3A_877 = arith.constant 13 : i32
    %dma_wait3A_878 = arith.constant 13 : i32
    %dma_wait3A_879 = arith.constant 0 : i32
    %dma_wait3A_880 = arith.constant 0 : i32
    %dma_wait3A_881 = tpu.memref_slice %arg6[%dma_wait3A_878, %dma_wait3A_879, %dma_wait3A_880] : memref<20x32x128xf32, #tpu.memory_space<vmem>> -> memref<1x32x128xf32, #tpu.memory_space<vmem>>
    %dma_wait3A_882 = tpu.memref_squeeze %dma_wait3A_881 : memref<1x32x128xf32, #tpu.memory_space<vmem>> -> memref<32x128xf32, #tpu.memory_space<vmem>>
    %dma_wait3A_883 = arith.constant 0 : i32
    %dma_wait3A_884 = tpu.memref_slice %arg5[%dma_wait3A_877, %dma_wait3A_883] : memref<20x32xi32, #tpu.memory_space<vmem>> -> memref<1x32xi32, #tpu.memory_space<vmem>>
    %dma_wait3A_885 = tpu.memref_squeeze %dma_wait3A_884 : memref<1x32xi32, #tpu.memory_space<vmem>> -> memref<32xi32, #tpu.memory_space<vmem>>
    %dma_wait3A_886 = arith.constant 0 : i32
    %dma_wait3A_887 = arith.constant 0 : i32
    %dma_wait3A_888 = tpu.memref_slice %arg3[%dma_wait3A_886, %dma_wait3A_887] : memref<100000x128xf32, #tpu.memory_space<hbm>> -> memref<100000x128xf32, #tpu.memory_space<hbm>>
    tpu.wait_indirect_dma semaphore(%arg8 : memref<!tpu.dma_semaphore, #tpu.memory_space<semaphore_mem>>) src(%dma_wait3A_888 : memref<100000x128xf32, #tpu.memory_space<hbm>>) dst(%dma_wait3A_882 : memref<32x128xf32, #tpu.memory_space<vmem>>)
    %dma_wait3A_889 = arith.constant 14 : i32
    %dma_wait3A_890 = arith.constant 14 : i32
    %dma_wait3A_891 = arith.constant 0 : i32
    %dma_wait3A_892 = arith.constant 0 : i32
    %dma_wait3A_893 = tpu.memref_slice %arg6[%dma_wait3A_890, %dma_wait3A_891, %dma_wait3A_892] : memref<20x32x128xf32, #tpu.memory_space<vmem>> -> memref<1x32x128xf32, #tpu.memory_space<vmem>>
    %dma_wait3A_894 = tpu.memref_squeeze %dma_wait3A_893 : memref<1x32x128xf32, #tpu.memory_space<vmem>> -> memref<32x128xf32, #tpu.memory_space<vmem>>
    %dma_wait3A_895 = arith.constant 0 : i32
    %dma_wait3A_896 = tpu.memref_slice %arg5[%dma_wait3A_889, %dma_wait3A_895] : memref<20x32xi32, #tpu.memory_space<vmem>> -> memref<1x32xi32, #tpu.memory_space<vmem>>
    %dma_wait3A_897 = tpu.memref_squeeze %dma_wait3A_896 : memref<1x32xi32, #tpu.memory_space<vmem>> -> memref<32xi32, #tpu.memory_space<vmem>>
    %dma_wait3A_898 = arith.constant 0 : i32
    %dma_wait3A_899 = arith.constant 0 : i32
    %dma_wait3A_900 = tpu.memref_slice %arg3[%dma_wait3A_898, %dma_wait3A_899] : memref<100000x128xf32, #tpu.memory_space<hbm>> -> memref<100000x128xf32, #tpu.memory_space<hbm>>
    tpu.wait_indirect_dma semaphore(%arg8 : memref<!tpu.dma_semaphore, #tpu.memory_space<semaphore_mem>>) src(%dma_wait3A_900 : memref<100000x128xf32, #tpu.memory_space<hbm>>) dst(%dma_wait3A_894 : memref<32x128xf32, #tpu.memory_space<vmem>>)
    %dma_wait3A_901 = arith.constant 15 : i32
    %dma_wait3A_902 = arith.constant 15 : i32
    %dma_wait3A_903 = arith.constant 0 : i32
    %dma_wait3A_904 = arith.constant 0 : i32
    %dma_wait3A_905 = tpu.memref_slice %arg6[%dma_wait3A_902, %dma_wait3A_903, %dma_wait3A_904] : memref<20x32x128xf32, #tpu.memory_space<vmem>> -> memref<1x32x128xf32, #tpu.memory_space<vmem>>
    %dma_wait3A_906 = tpu.memref_squeeze %dma_wait3A_905 : memref<1x32x128xf32, #tpu.memory_space<vmem>> -> memref<32x128xf32, #tpu.memory_space<vmem>>
    %dma_wait3A_907 = arith.constant 0 : i32
    %dma_wait3A_908 = tpu.memref_slice %arg5[%dma_wait3A_901, %dma_wait3A_907] : memref<20x32xi32, #tpu.memory_space<vmem>> -> memref<1x32xi32, #tpu.memory_space<vmem>>
    %dma_wait3A_909 = tpu.memref_squeeze %dma_wait3A_908 : memref<1x32xi32, #tpu.memory_space<vmem>> -> memref<32xi32, #tpu.memory_space<vmem>>
    %dma_wait3A_910 = arith.constant 0 : i32
    %dma_wait3A_911 = arith.constant 0 : i32
    %dma_wait3A_912 = tpu.memref_slice %arg3[%dma_wait3A_910, %dma_wait3A_911] : memref<100000x128xf32, #tpu.memory_space<hbm>> -> memref<100000x128xf32, #tpu.memory_space<hbm>>
    tpu.wait_indirect_dma semaphore(%arg8 : memref<!tpu.dma_semaphore, #tpu.memory_space<semaphore_mem>>) src(%dma_wait3A_912 : memref<100000x128xf32, #tpu.memory_space<hbm>>) dst(%dma_wait3A_906 : memref<32x128xf32, #tpu.memory_space<vmem>>)
    %dma_wait3A_913 = arith.constant 16 : i32
    %dma_wait3A_914 = arith.constant 16 : i32
    %dma_wait3A_915 = arith.constant 0 : i32
    %dma_wait3A_916 = arith.constant 0 : i32
    %dma_wait3A_917 = tpu.memref_slice %arg6[%dma_wait3A_914, %dma_wait3A_915, %dma_wait3A_916] : memref<20x32x128xf32, #tpu.memory_space<vmem>> -> memref<1x32x128xf32, #tpu.memory_space<vmem>>
    %dma_wait3A_918 = tpu.memref_squeeze %dma_wait3A_917 : memref<1x32x128xf32, #tpu.memory_space<vmem>> -> memref<32x128xf32, #tpu.memory_space<vmem>>
    %dma_wait3A_919 = arith.constant 0 : i32
    %dma_wait3A_920 = tpu.memref_slice %arg5[%dma_wait3A_913, %dma_wait3A_919] : memref<20x32xi32, #tpu.memory_space<vmem>> -> memref<1x32xi32, #tpu.memory_space<vmem>>
    %dma_wait3A_921 = tpu.memref_squeeze %dma_wait3A_920 : memref<1x32xi32, #tpu.memory_space<vmem>> -> memref<32xi32, #tpu.memory_space<vmem>>
    %dma_wait3A_922 = arith.constant 0 : i32
    %dma_wait3A_923 = arith.constant 0 : i32
    %dma_wait3A_924 = tpu.memref_slice %arg3[%dma_wait3A_922, %dma_wait3A_923] : memref<100000x128xf32, #tpu.memory_space<hbm>> -> memref<100000x128xf32, #tpu.memory_space<hbm>>
    tpu.wait_indirect_dma semaphore(%arg8 : memref<!tpu.dma_semaphore, #tpu.memory_space<semaphore_mem>>) src(%dma_wait3A_924 : memref<100000x128xf32, #tpu.memory_space<hbm>>) dst(%dma_wait3A_918 : memref<32x128xf32, #tpu.memory_space<vmem>>)
    %dma_wait3A_925 = arith.constant 17 : i32
    %dma_wait3A_926 = arith.constant 17 : i32
    %dma_wait3A_927 = arith.constant 0 : i32
    %dma_wait3A_928 = arith.constant 0 : i32
    %dma_wait3A_929 = tpu.memref_slice %arg6[%dma_wait3A_926, %dma_wait3A_927, %dma_wait3A_928] : memref<20x32x128xf32, #tpu.memory_space<vmem>> -> memref<1x32x128xf32, #tpu.memory_space<vmem>>
    %dma_wait3A_930 = tpu.memref_squeeze %dma_wait3A_929 : memref<1x32x128xf32, #tpu.memory_space<vmem>> -> memref<32x128xf32, #tpu.memory_space<vmem>>
    %dma_wait3A_931 = arith.constant 0 : i32
    %dma_wait3A_932 = tpu.memref_slice %arg5[%dma_wait3A_925, %dma_wait3A_931] : memref<20x32xi32, #tpu.memory_space<vmem>> -> memref<1x32xi32, #tpu.memory_space<vmem>>
    %dma_wait3A_933 = tpu.memref_squeeze %dma_wait3A_932 : memref<1x32xi32, #tpu.memory_space<vmem>> -> memref<32xi32, #tpu.memory_space<vmem>>
    %dma_wait3A_934 = arith.constant 0 : i32
    %dma_wait3A_935 = arith.constant 0 : i32
    %dma_wait3A_936 = tpu.memref_slice %arg3[%dma_wait3A_934, %dma_wait3A_935] : memref<100000x128xf32, #tpu.memory_space<hbm>> -> memref<100000x128xf32, #tpu.memory_space<hbm>>
    tpu.wait_indirect_dma semaphore(%arg8 : memref<!tpu.dma_semaphore, #tpu.memory_space<semaphore_mem>>) src(%dma_wait3A_936 : memref<100000x128xf32, #tpu.memory_space<hbm>>) dst(%dma_wait3A_930 : memref<32x128xf32, #tpu.memory_space<vmem>>)
    %dma_wait3A_937 = arith.constant 18 : i32
    %dma_wait3A_938 = arith.constant 18 : i32
    %dma_wait3A_939 = arith.constant 0 : i32
    %dma_wait3A_940 = arith.constant 0 : i32
    %dma_wait3A_941 = tpu.memref_slice %arg6[%dma_wait3A_938, %dma_wait3A_939, %dma_wait3A_940] : memref<20x32x128xf32, #tpu.memory_space<vmem>> -> memref<1x32x128xf32, #tpu.memory_space<vmem>>
    %dma_wait3A_942 = tpu.memref_squeeze %dma_wait3A_941 : memref<1x32x128xf32, #tpu.memory_space<vmem>> -> memref<32x128xf32, #tpu.memory_space<vmem>>
    %dma_wait3A_943 = arith.constant 0 : i32
    %dma_wait3A_944 = tpu.memref_slice %arg5[%dma_wait3A_937, %dma_wait3A_943] : memref<20x32xi32, #tpu.memory_space<vmem>> -> memref<1x32xi32, #tpu.memory_space<vmem>>
    %dma_wait3A_945 = tpu.memref_squeeze %dma_wait3A_944 : memref<1x32xi32, #tpu.memory_space<vmem>> -> memref<32xi32, #tpu.memory_space<vmem>>
    %dma_wait3A_946 = arith.constant 0 : i32
    %dma_wait3A_947 = arith.constant 0 : i32
    %dma_wait3A_948 = tpu.memref_slice %arg3[%dma_wait3A_946, %dma_wait3A_947] : memref<100000x128xf32, #tpu.memory_space<hbm>> -> memref<100000x128xf32, #tpu.memory_space<hbm>>
    tpu.wait_indirect_dma semaphore(%arg8 : memref<!tpu.dma_semaphore, #tpu.memory_space<semaphore_mem>>) src(%dma_wait3A_948 : memref<100000x128xf32, #tpu.memory_space<hbm>>) dst(%dma_wait3A_942 : memref<32x128xf32, #tpu.memory_space<vmem>>)
    %dma_wait3A_949 = arith.constant 19 : i32
    %dma_wait3A_950 = arith.constant 19 : i32
    %dma_wait3A_951 = arith.constant 0 : i32
    %dma_wait3A_952 = arith.constant 0 : i32
    %dma_wait3A_953 = tpu.memref_slice %arg6[%dma_wait3A_950, %dma_wait3A_951, %dma_wait3A_952] : memref<20x32x128xf32, #tpu.memory_space<vmem>> -> memref<1x32x128xf32, #tpu.memory_space<vmem>>
    %dma_wait3A_954 = tpu.memref_squeeze %dma_wait3A_953 : memref<1x32x128xf32, #tpu.memory_space<vmem>> -> memref<32x128xf32, #tpu.memory_space<vmem>>
    %dma_wait3A_955 = arith.constant 0 : i32
    %dma_wait3A_956 = tpu.memref_slice %arg5[%dma_wait3A_949, %dma_wait3A_955] : memref<20x32xi32, #tpu.memory_space<vmem>> -> memref<1x32xi32, #tpu.memory_space<vmem>>
    %dma_wait3A_957 = tpu.memref_squeeze %dma_wait3A_956 : memref<1x32xi32, #tpu.memory_space<vmem>> -> memref<32xi32, #tpu.memory_space<vmem>>
    %dma_wait3A_958 = arith.constant 0 : i32
    %dma_wait3A_959 = arith.constant 0 : i32
    %dma_wait3A_960 = tpu.memref_slice %arg3[%dma_wait3A_958, %dma_wait3A_959] : memref<100000x128xf32, #tpu.memory_space<hbm>> -> memref<100000x128xf32, #tpu.memory_space<hbm>>
    tpu.wait_indirect_dma semaphore(%arg8 : memref<!tpu.dma_semaphore, #tpu.memory_space<semaphore_mem>>) src(%dma_wait3A_960 : memref<100000x128xf32, #tpu.memory_space<hbm>>) dst(%dma_wait3A_954 : memref<32x128xf32, #tpu.memory_space<vmem>>)
    %scan3A = arith.constant 0 : i32
    %scan3A_961 = arith.constant 0 : i32
    %scan3A_962 = arith.constant 32 : i32
    %scan3A_963 = arith.addi %scan3A_961, %scan3A_962 : i32
    %scan3A_964 = arith.constant 1 : i32
    scf.for %scan3A_966 = %scan3A_961 to %scan3A_963 step %scan3A_964  : i32 {
      %get3A = arith.constant 0 : i32
      %get3A_967 = arith.index_cast %get3A : i32 to index
      %get3A_968 = arith.index_cast %scan3A_966 : i32 to index
      %get3A_969 = arith.constant 0 : index
      %get3A_970 = tpu.vector_load %arg6[%get3A_967, %get3A_968, %get3A_969] {strides = array<i32>} : memref<20x32x128xf32, #tpu.memory_space<vmem>>, vector<1x1x16xf32>,
      %get3A_971 = vector.shape_cast %get3A_970 : vector<1x1x16xf32> to vector<16xf32>
      %get3A_972 = arith.constant 1 : i32
      %get3A_973 = arith.index_cast %get3A_972 : i32 to index
      %get3A_974 = arith.index_cast %scan3A_966 : i32 to index
      %get3A_975 = arith.constant 0 : index
      %get3A_976 = tpu.vector_load %arg6[%get3A_973, %get3A_974, %get3A_975] {strides = array<i32>} : memref<20x32x128xf32, #tpu.memory_space<vmem>>, vector<1x1x16xf32>,
      %get3A_977 = vector.shape_cast %get3A_976 : vector<1x1x16xf32> to vector<16xf32>
      %add3A_978 = arith.addf %get3A_971, %get3A_977 : vector<16xf32>
      %get3A_979 = arith.constant 2 : i32
      %get3A_980 = arith.index_cast %get3A_979 : i32 to index
      %get3A_981 = arith.index_cast %scan3A_966 : i32 to index
      %get3A_982 = arith.constant 0 : index
      %get3A_983 = tpu.vector_load %arg6[%get3A_980, %get3A_981, %get3A_982] {strides = array<i32>} : memref<20x32x128xf32, #tpu.memory_space<vmem>>, vector<1x1x16xf32>,
      %get3A_984 = vector.shape_cast %get3A_983 : vector<1x1x16xf32> to vector<16xf32>
      %add3A_985 = arith.addf %add3A_978, %get3A_984 : vector<16xf32>
      %get3A_986 = arith.constant 3 : i32
      %get3A_987 = arith.index_cast %get3A_986 : i32 to index
      %get3A_988 = arith.index_cast %scan3A_966 : i32 to index
      %get3A_989 = arith.constant 0 : index
      %get3A_990 = tpu.vector_load %arg6[%get3A_987, %get3A_988, %get3A_989] {strides = array<i32>} : memref<20x32x128xf32, #tpu.memory_space<vmem>>, vector<1x1x16xf32>,
      %get3A_991 = vector.shape_cast %get3A_990 : vector<1x1x16xf32> to vector<16xf32>
      %add3A_992 = arith.addf %add3A_985, %get3A_991 : vector<16xf32>
      %get3A_993 = arith.constant 4 : i32
      %get3A_994 = arith.index_cast %get3A_993 : i32 to index
      %get3A_995 = arith.index_cast %scan3A_966 : i32 to index
      %get3A_996 = arith.constant 0 : index
      %get3A_997 = tpu.vector_load %arg6[%get3A_994, %get3A_995, %get3A_996] {strides = array<i32>} : memref<20x32x128xf32, #tpu.memory_space<vmem>>, vector<1x1x16xf32>,
      %get3A_998 = vector.shape_cast %get3A_997 : vector<1x1x16xf32> to vector<16xf32>
      %add3A_999 = arith.addf %add3A_992, %get3A_998 : vector<16xf32>
      %get3A_1000 = arith.constant 5 : i32
      %get3A_1001 = arith.index_cast %get3A_1000 : i32 to index
      %get3A_1002 = arith.index_cast %scan3A_966 : i32 to index
      %get3A_1003 = arith.constant 0 : index
      %get3A_1004 = tpu.vector_load %arg6[%get3A_1001, %get3A_1002, %get3A_1003] {strides = array<i32>} : memref<20x32x128xf32, #tpu.memory_space<vmem>>, vector<1x1x16xf32>,
      %get3A_1005 = vector.shape_cast %get3A_1004 : vector<1x1x16xf32> to vector<16xf32>
      %add3A_1006 = arith.addf %add3A_999, %get3A_1005 : vector<16xf32>
      %get3A_1007 = arith.constant 6 : i32
      %get3A_1008 = arith.index_cast %get3A_1007 : i32 to index
      %get3A_1009 = arith.index_cast %scan3A_966 : i32 to index
      %get3A_1010 = arith.constant 0 : index
      %get3A_1011 = tpu.vector_load %arg6[%get3A_1008, %get3A_1009, %get3A_1010] {strides = array<i32>} : memref<20x32x128xf32, #tpu.memory_space<vmem>>, vector<1x1x16xf32>,
      %get3A_1012 = vector.shape_cast %get3A_1011 : vector<1x1x16xf32> to vector<16xf32>
      %add3A_1013 = arith.addf %add3A_1006, %get3A_1012 : vector<16xf32>
      %get3A_1014 = arith.constant 7 : i32
      %get3A_1015 = arith.index_cast %get3A_1014 : i32 to index
      %get3A_1016 = arith.index_cast %scan3A_966 : i32 to index
      %get3A_1017 = arith.constant 0 : index
      %get3A_1018 = tpu.vector_load %arg6[%get3A_1015, %get3A_1016, %get3A_1017] {strides = array<i32>} : memref<20x32x128xf32, #tpu.memory_space<vmem>>, vector<1x1x16xf32>,
      %get3A_1019 = vector.shape_cast %get3A_1018 : vector<1x1x16xf32> to vector<16xf32>
      %add3A_1020 = arith.addf %add3A_1013, %get3A_1019 : vector<16xf32>
      %get3A_1021 = arith.constant 8 : i32
      %get3A_1022 = arith.index_cast %get3A_1021 : i32 to index
      %get3A_1023 = arith.index_cast %scan3A_966 : i32 to index
      %get3A_1024 = arith.constant 0 : index
      %get3A_1025 = tpu.vector_load %arg6[%get3A_1022, %get3A_1023, %get3A_1024] {strides = array<i32>} : memref<20x32x128xf32, #tpu.memory_space<vmem>>, vector<1x1x16xf32>,
      %get3A_1026 = vector.shape_cast %get3A_1025 : vector<1x1x16xf32> to vector<16xf32>
      %add3A_1027 = arith.addf %add3A_1020, %get3A_1026 : vector<16xf32>
      %get3A_1028 = arith.constant 9 : i32
      %get3A_1029 = arith.index_cast %get3A_1028 : i32 to index
      %get3A_1030 = arith.index_cast %scan3A_966 : i32 to index
      %get3A_1031 = arith.constant 0 : index
      %get3A_1032 = tpu.vector_load %arg6[%get3A_1029, %get3A_1030, %get3A_1031] {strides = array<i32>} : memref<20x32x128xf32, #tpu.memory_space<vmem>>, vector<1x1x16xf32>,
      %get3A_1033 = vector.shape_cast %get3A_1032 : vector<1x1x16xf32> to vector<16xf32>
      %add3A_1034 = arith.addf %add3A_1027, %get3A_1033 : vector<16xf32>
      %get3A_1035 = arith.constant 10 : i32
      %get3A_1036 = arith.index_cast %get3A_1035 : i32 to index
      %get3A_1037 = arith.index_cast %scan3A_966 : i32 to index
      %get3A_1038 = arith.constant 0 : index
      %get3A_1039 = tpu.vector_load %arg6[%get3A_1036, %get3A_1037, %get3A_1038] {strides = array<i32>} : memref<20x32x128xf32, #tpu.memory_space<vmem>>, vector<1x1x16xf32>,
      %get3A_1040 = vector.shape_cast %get3A_1039 : vector<1x1x16xf32> to vector<16xf32>
      %add3A_1041 = arith.addf %add3A_1034, %get3A_1040 : vector<16xf32>
      %get3A_1042 = arith.constant 11 : i32
      %get3A_1043 = arith.index_cast %get3A_1042 : i32 to index
      %get3A_1044 = arith.index_cast %scan3A_966 : i32 to index
      %get3A_1045 = arith.constant 0 : index
      %get3A_1046 = tpu.vector_load %arg6[%get3A_1043, %get3A_1044, %get3A_1045] {strides = array<i32>} : memref<20x32x128xf32, #tpu.memory_space<vmem>>, vector<1x1x16xf32>,
      %get3A_1047 = vector.shape_cast %get3A_1046 : vector<1x1x16xf32> to vector<16xf32>
      %add3A_1048 = arith.addf %add3A_1041, %get3A_1047 : vector<16xf32>
      %get3A_1049 = arith.constant 12 : i32
      %get3A_1050 = arith.index_cast %get3A_1049 : i32 to index
      %get3A_1051 = arith.index_cast %scan3A_966 : i32 to index
      %get3A_1052 = arith.constant 0 : index
      %get3A_1053 = tpu.vector_load %arg6[%get3A_1050, %get3A_1051, %get3A_1052] {strides = array<i32>} : memref<20x32x128xf32, #tpu.memory_space<vmem>>, vector<1x1x16xf32>,
      %get3A_1054 = vector.shape_cast %get3A_1053 : vector<1x1x16xf32> to vector<16xf32>
      %add3A_1055 = arith.addf %add3A_1048, %get3A_1054 : vector<16xf32>
      %get3A_1056 = arith.constant 13 : i32
      %get3A_1057 = arith.index_cast %get3A_1056 : i32 to index
      %get3A_1058 = arith.index_cast %scan3A_966 : i32 to index
      %get3A_1059 = arith.constant 0 : index
      %get3A_1060 = tpu.vector_load %arg6[%get3A_1057, %get3A_1058, %get3A_1059] {strides = array<i32>} : memref<20x32x128xf32, #tpu.memory_space<vmem>>, vector<1x1x16xf32>,
      %get3A_1061 = vector.shape_cast %get3A_1060 : vector<1x1x16xf32> to vector<16xf32>
      %add3A_1062 = arith.addf %add3A_1055, %get3A_1061 : vector<16xf32>
      %get3A_1063 = arith.constant 14 : i32
      %get3A_1064 = arith.index_cast %get3A_1063 : i32 to index
      %get3A_1065 = arith.index_cast %scan3A_966 : i32 to index
      %get3A_1066 = arith.constant 0 : index
      %get3A_1067 = tpu.vector_load %arg6[%get3A_1064, %get3A_1065, %get3A_1066] {strides = array<i32>} : memref<20x32x128xf32, #tpu.memory_space<vmem>>, vector<1x1x16xf32>,
      %get3A_1068 = vector.shape_cast %get3A_1067 : vector<1x1x16xf32> to vector<16xf32>
      %add3A_1069 = arith.addf %add3A_1062, %get3A_1068 : vector<16xf32>
      %get3A_1070 = arith.constant 15 : i32
      %get3A_1071 = arith.index_cast %get3A_1070 : i32 to index
      %get3A_1072 = arith.index_cast %scan3A_966 : i32 to index
      %get3A_1073 = arith.constant 0 : index
      %get3A_1074 = tpu.vector_load %arg6[%get3A_1071, %get3A_1072, %get3A_1073] {strides = array<i32>} : memref<20x32x128xf32, #tpu.memory_space<vmem>>, vector<1x1x16xf32>,
      %get3A_1075 = vector.shape_cast %get3A_1074 : vector<1x1x16xf32> to vector<16xf32>
      %add3A_1076 = arith.addf %add3A_1069, %get3A_1075 : vector<16xf32>
      %get3A_1077 = arith.constant 16 : i32
      %get3A_1078 = arith.index_cast %get3A_1077 : i32 to index
      %get3A_1079 = arith.index_cast %scan3A_966 : i32 to index
      %get3A_1080 = arith.constant 0 : index
      %get3A_1081 = tpu.vector_load %arg6[%get3A_1078, %get3A_1079, %get3A_1080] {strides = array<i32>} : memref<20x32x128xf32, #tpu.memory_space<vmem>>, vector<1x1x16xf32>,
      %get3A_1082 = vector.shape_cast %get3A_1081 : vector<1x1x16xf32> to vector<16xf32>
      %add3A_1083 = arith.addf %add3A_1076, %get3A_1082 : vector<16xf32>
      %get3A_1084 = arith.constant 17 : i32
      %get3A_1085 = arith.index_cast %get3A_1084 : i32 to index
      %get3A_1086 = arith.index_cast %scan3A_966 : i32 to index
      %get3A_1087 = arith.constant 0 : index
      %get3A_1088 = tpu.vector_load %arg6[%get3A_1085, %get3A_1086, %get3A_1087] {strides = array<i32>} : memref<20x32x128xf32, #tpu.memory_space<vmem>>, vector<1x1x16xf32>,
      %get3A_1089 = vector.shape_cast %get3A_1088 : vector<1x1x16xf32> to vector<16xf32>
      %add3A_1090 = arith.addf %add3A_1083, %get3A_1089 : vector<16xf32>
      %get3A_1091 = arith.constant 18 : i32
      %get3A_1092 = arith.index_cast %get3A_1091 : i32 to index
      %get3A_1093 = arith.index_cast %scan3A_966 : i32 to index
      %get3A_1094 = arith.constant 0 : index
      %get3A_1095 = tpu.vector_load %arg6[%get3A_1092, %get3A_1093, %get3A_1094] {strides = array<i32>} : memref<20x32x128xf32, #tpu.memory_space<vmem>>, vector<1x1x16xf32>,
      %get3A_1096 = vector.shape_cast %get3A_1095 : vector<1x1x16xf32> to vector<16xf32>
      %add3A_1097 = arith.addf %add3A_1090, %get3A_1096 : vector<16xf32>
      %get3A_1098 = arith.constant 19 : i32
      %get3A_1099 = arith.index_cast %get3A_1098 : i32 to index
      %get3A_1100 = arith.index_cast %scan3A_966 : i32 to index
      %get3A_1101 = arith.constant 0 : index
      %get3A_1102 = tpu.vector_load %arg6[%get3A_1099, %get3A_1100, %get3A_1101] {strides = array<i32>} : memref<20x32x128xf32, #tpu.memory_space<vmem>>, vector<1x1x16xf32>,
      %get3A_1103 = vector.shape_cast %get3A_1102 : vector<1x1x16xf32> to vector<16xf32>
      %add3A_1104 = arith.addf %add3A_1097, %get3A_1103 : vector<16xf32>
      %swap3A = arith.index_cast %scan3A_966 : i32 to index
      %swap3A_1105 = arith.constant 0 : index
      %swap3A_1106 = tpu.vector_load %arg7[%swap3A, %swap3A_1105] {strides = array<i32>} : memref<32x32xf32, #tpu.memory_space<vmem>>, vector<1x16xf32>,
      %swap3A_1107 = vector.shape_cast %swap3A_1106 : vector<1x16xf32> to vector<16xf32>
      %swap3A_1108 = vector.shape_cast %add3A_1104 : vector<16xf32> to vector<1x16xf32>
      tpu.vector_store %arg7[%swap3A, %swap3A_1105], %swap3A_1108 {strides = array<i32>} : memref<32x32xf32, #tpu.memory_space<vmem>>, vector<1x16xf32>,
      %get3A_1109 = arith.constant 0 : i32
      %get3A_1110 = arith.index_cast %get3A_1109 : i32 to index
      %get3A_1111 = arith.index_cast %scan3A_966 : i32 to index
      %get3A_1112 = arith.constant 16 : index
      %get3A_1113 = tpu.vector_load %arg6[%get3A_1110, %get3A_1111, %get3A_1112] {strides = array<i32>} : memref<20x32x128xf32, #tpu.memory_space<vmem>>, vector<1x1x16xf32>,
      %get3A_1114 = vector.shape_cast %get3A_1113 : vector<1x1x16xf32> to vector<16xf32>
      %get3A_1115 = arith.constant 1 : i32
      %get3A_1116 = arith.index_cast %get3A_1115 : i32 to index
      %get3A_1117 = arith.index_cast %scan3A_966 : i32 to index
      %get3A_1118 = arith.constant 16 : index
      %get3A_1119 = tpu.vector_load %arg6[%get3A_1116, %get3A_1117, %get3A_1118] {strides = array<i32>} : memref<20x32x128xf32, #tpu.memory_space<vmem>>, vector<1x1x16xf32>,
      %get3A_1120 = vector.shape_cast %get3A_1119 : vector<1x1x16xf32> to vector<16xf32>
      %add3A_1121 = arith.addf %get3A_1114, %get3A_1120 : vector<16xf32>
      %get3A_1122 = arith.constant 2 : i32
      %get3A_1123 = arith.index_cast %get3A_1122 : i32 to index
      %get3A_1124 = arith.index_cast %scan3A_966 : i32 to index
      %get3A_1125 = arith.constant 16 : index
      %get3A_1126 = tpu.vector_load %arg6[%get3A_1123, %get3A_1124, %get3A_1125] {strides = array<i32>} : memref<20x32x128xf32, #tpu.memory_space<vmem>>, vector<1x1x16xf32>,
      %get3A_1127 = vector.shape_cast %get3A_1126 : vector<1x1x16xf32> to vector<16xf32>
      %add3A_1128 = arith.addf %add3A_1121, %get3A_1127 : vector<16xf32>
      %get3A_1129 = arith.constant 3 : i32
      %get3A_1130 = arith.index_cast %get3A_1129 : i32 to index
      %get3A_1131 = arith.index_cast %scan3A_966 : i32 to index
      %get3A_1132 = arith.constant 16 : index
      %get3A_1133 = tpu.vector_load %arg6[%get3A_1130, %get3A_1131, %get3A_1132] {strides = array<i32>} : memref<20x32x128xf32, #tpu.memory_space<vmem>>, vector<1x1x16xf32>,
      %get3A_1134 = vector.shape_cast %get3A_1133 : vector<1x1x16xf32> to vector<16xf32>
      %add3A_1135 = arith.addf %add3A_1128, %get3A_1134 : vector<16xf32>
      %get3A_1136 = arith.constant 4 : i32
      %get3A_1137 = arith.index_cast %get3A_1136 : i32 to index
      %get3A_1138 = arith.index_cast %scan3A_966 : i32 to index
      %get3A_1139 = arith.constant 16 : index
      %get3A_1140 = tpu.vector_load %arg6[%get3A_1137, %get3A_1138, %get3A_1139] {strides = array<i32>} : memref<20x32x128xf32, #tpu.memory_space<vmem>>, vector<1x1x16xf32>,
      %get3A_1141 = vector.shape_cast %get3A_1140 : vector<1x1x16xf32> to vector<16xf32>
      %add3A_1142 = arith.addf %add3A_1135, %get3A_1141 : vector<16xf32>
      %get3A_1143 = arith.constant 5 : i32
      %get3A_1144 = arith.index_cast %get3A_1143 : i32 to index
      %get3A_1145 = arith.index_cast %scan3A_966 : i32 to index
      %get3A_1146 = arith.constant 16 : index
      %get3A_1147 = tpu.vector_load %arg6[%get3A_1144, %get3A_1145, %get3A_1146] {strides = array<i32>} : memref<20x32x128xf32, #tpu.memory_space<vmem>>, vector<1x1x16xf32>,
      %get3A_1148 = vector.shape_cast %get3A_1147 : vector<1x1x16xf32> to vector<16xf32>
      %add3A_1149 = arith.addf %add3A_1142, %get3A_1148 : vector<16xf32>
      %get3A_1150 = arith.constant 6 : i32
      %get3A_1151 = arith.index_cast %get3A_1150 : i32 to index
      %get3A_1152 = arith.index_cast %scan3A_966 : i32 to index
      %get3A_1153 = arith.constant 16 : index
      %get3A_1154 = tpu.vector_load %arg6[%get3A_1151, %get3A_1152, %get3A_1153] {strides = array<i32>} : memref<20x32x128xf32, #tpu.memory_space<vmem>>, vector<1x1x16xf32>,
      %get3A_1155 = vector.shape_cast %get3A_1154 : vector<1x1x16xf32> to vector<16xf32>
      %add3A_1156 = arith.addf %add3A_1149, %get3A_1155 : vector<16xf32>
      %get3A_1157 = arith.constant 7 : i32
      %get3A_1158 = arith.index_cast %get3A_1157 : i32 to index
      %get3A_1159 = arith.index_cast %scan3A_966 : i32 to index
      %get3A_1160 = arith.constant 16 : index
      %get3A_1161 = tpu.vector_load %arg6[%get3A_1158, %get3A_1159, %get3A_1160] {strides = array<i32>} : memref<20x32x128xf32, #tpu.memory_space<vmem>>, vector<1x1x16xf32>,
      %get3A_1162 = vector.shape_cast %get3A_1161 : vector<1x1x16xf32> to vector<16xf32>
      %add3A_1163 = arith.addf %add3A_1156, %get3A_1162 : vector<16xf32>
      %get3A_1164 = arith.constant 8 : i32
      %get3A_1165 = arith.index_cast %get3A_1164 : i32 to index
      %get3A_1166 = arith.index_cast %scan3A_966 : i32 to index
      %get3A_1167 = arith.constant 16 : index
      %get3A_1168 = tpu.vector_load %arg6[%get3A_1165, %get3A_1166, %get3A_1167] {strides = array<i32>} : memref<20x32x128xf32, #tpu.memory_space<vmem>>, vector<1x1x16xf32>,
      %get3A_1169 = vector.shape_cast %get3A_1168 : vector<1x1x16xf32> to vector<16xf32>
      %add3A_1170 = arith.addf %add3A_1163, %get3A_1169 : vector<16xf32>
      %get3A_1171 = arith.constant 9 : i32
      %get3A_1172 = arith.index_cast %get3A_1171 : i32 to index
      %get3A_1173 = arith.index_cast %scan3A_966 : i32 to index
      %get3A_1174 = arith.constant 16 : index
      %get3A_1175 = tpu.vector_load %arg6[%get3A_1172, %get3A_1173, %get3A_1174] {strides = array<i32>} : memref<20x32x128xf32, #tpu.memory_space<vmem>>, vector<1x1x16xf32>,
      %get3A_1176 = vector.shape_cast %get3A_1175 : vector<1x1x16xf32> to vector<16xf32>
      %add3A_1177 = arith.addf %add3A_1170, %get3A_1176 : vector<16xf32>
      %get3A_1178 = arith.constant 10 : i32
      %get3A_1179 = arith.index_cast %get3A_1178 : i32 to index
      %get3A_1180 = arith.index_cast %scan3A_966 : i32 to index
      %get3A_1181 = arith.constant 16 : index
      %get3A_1182 = tpu.vector_load %arg6[%get3A_1179, %get3A_1180, %get3A_1181] {strides = array<i32>} : memref<20x32x128xf32, #tpu.memory_space<vmem>>, vector<1x1x16xf32>,
      %get3A_1183 = vector.shape_cast %get3A_1182 : vector<1x1x16xf32> to vector<16xf32>
      %add3A_1184 = arith.addf %add3A_1177, %get3A_1183 : vector<16xf32>
      %get3A_1185 = arith.constant 11 : i32
      %get3A_1186 = arith.index_cast %get3A_1185 : i32 to index
      %get3A_1187 = arith.index_cast %scan3A_966 : i32 to index
      %get3A_1188 = arith.constant 16 : index
      %get3A_1189 = tpu.vector_load %arg6[%get3A_1186, %get3A_1187, %get3A_1188] {strides = array<i32>} : memref<20x32x128xf32, #tpu.memory_space<vmem>>, vector<1x1x16xf32>,
      %get3A_1190 = vector.shape_cast %get3A_1189 : vector<1x1x16xf32> to vector<16xf32>
      %add3A_1191 = arith.addf %add3A_1184, %get3A_1190 : vector<16xf32>
      %get3A_1192 = arith.constant 12 : i32
      %get3A_1193 = arith.index_cast %get3A_1192 : i32 to index
      %get3A_1194 = arith.index_cast %scan3A_966 : i32 to index
      %get3A_1195 = arith.constant 16 : index
      %get3A_1196 = tpu.vector_load %arg6[%get3A_1193, %get3A_1194, %get3A_1195] {strides = array<i32>} : memref<20x32x128xf32, #tpu.memory_space<vmem>>, vector<1x1x16xf32>,
      %get3A_1197 = vector.shape_cast %get3A_1196 : vector<1x1x16xf32> to vector<16xf32>
      %add3A_1198 = arith.addf %add3A_1191, %get3A_1197 : vector<16xf32>
      %get3A_1199 = arith.constant 13 : i32
      %get3A_1200 = arith.index_cast %get3A_1199 : i32 to index
      %get3A_1201 = arith.index_cast %scan3A_966 : i32 to index
      %get3A_1202 = arith.constant 16 : index
      %get3A_1203 = tpu.vector_load %arg6[%get3A_1200, %get3A_1201, %get3A_1202] {strides = array<i32>} : memref<20x32x128xf32, #tpu.memory_space<vmem>>, vector<1x1x16xf32>,
      %get3A_1204 = vector.shape_cast %get3A_1203 : vector<1x1x16xf32> to vector<16xf32>
      %add3A_1205 = arith.addf %add3A_1198, %get3A_1204 : vector<16xf32>
      %get3A_1206 = arith.constant 14 : i32
      %get3A_1207 = arith.index_cast %get3A_1206 : i32 to index
      %get3A_1208 = arith.index_cast %scan3A_966 : i32 to index
      %get3A_1209 = arith.constant 16 : index
      %get3A_1210 = tpu.vector_load %arg6[%get3A_1207, %get3A_1208, %get3A_1209] {strides = array<i32>} : memref<20x32x128xf32, #tpu.memory_space<vmem>>, vector<1x1x16xf32>,
      %get3A_1211 = vector.shape_cast %get3A_1210 : vector<1x1x16xf32> to vector<16xf32>
      %add3A_1212 = arith.addf %add3A_1205, %get3A_1211 : vector<16xf32>
      %get3A_1213 = arith.constant 15 : i32
      %get3A_1214 = arith.index_cast %get3A_1213 : i32 to index
      %get3A_1215 = arith.index_cast %scan3A_966 : i32 to index
      %get3A_1216 = arith.constant 16 : index
      %get3A_1217 = tpu.vector_load %arg6[%get3A_1214, %get3A_1215, %get3A_1216] {strides = array<i32>} : memref<20x32x128xf32, #tpu.memory_space<vmem>>, vector<1x1x16xf32>,
      %get3A_1218 = vector.shape_cast %get3A_1217 : vector<1x1x16xf32> to vector<16xf32>
      %add3A_1219 = arith.addf %add3A_1212, %get3A_1218 : vector<16xf32>
      %get3A_1220 = arith.constant 16 : i32
      %get3A_1221 = arith.index_cast %get3A_1220 : i32 to index
      %get3A_1222 = arith.index_cast %scan3A_966 : i32 to index
      %get3A_1223 = arith.constant 16 : index
      %get3A_1224 = tpu.vector_load %arg6[%get3A_1221, %get3A_1222, %get3A_1223] {strides = array<i32>} : memref<20x32x128xf32, #tpu.memory_space<vmem>>, vector<1x1x16xf32>,
      %get3A_1225 = vector.shape_cast %get3A_1224 : vector<1x1x16xf32> to vector<16xf32>
      %add3A_1226 = arith.addf %add3A_1219, %get3A_1225 : vector<16xf32>
      %get3A_1227 = arith.constant 17 : i32
      %get3A_1228 = arith.index_cast %get3A_1227 : i32 to index
      %get3A_1229 = arith.index_cast %scan3A_966 : i32 to index
      %get3A_1230 = arith.constant 16 : index
      %get3A_1231 = tpu.vector_load %arg6[%get3A_1228, %get3A_1229, %get3A_1230] {strides = array<i32>} : memref<20x32x128xf32, #tpu.memory_space<vmem>>, vector<1x1x16xf32>,
      %get3A_1232 = vector.shape_cast %get3A_1231 : vector<1x1x16xf32> to vector<16xf32>
      %add3A_1233 = arith.addf %add3A_1226, %get3A_1232 : vector<16xf32>
      %get3A_1234 = arith.constant 18 : i32
      %get3A_1235 = arith.index_cast %get3A_1234 : i32 to index
      %get3A_1236 = arith.index_cast %scan3A_966 : i32 to index
      %get3A_1237 = arith.constant 16 : index
      %get3A_1238 = tpu.vector_load %arg6[%get3A_1235, %get3A_1236, %get3A_1237] {strides = array<i32>} : memref<20x32x128xf32, #tpu.memory_space<vmem>>, vector<1x1x16xf32>,
      %get3A_1239 = vector.shape_cast %get3A_1238 : vector<1x1x16xf32> to vector<16xf32>
      %add3A_1240 = arith.addf %add3A_1233, %get3A_1239 : vector<16xf32>
      %get3A_1241 = arith.constant 19 : i32
      %get3A_1242 = arith.index_cast %get3A_1241 : i32 to index
      %get3A_1243 = arith.index_cast %scan3A_966 : i32 to index
      %get3A_1244 = arith.constant 16 : index
      %get3A_1245 = tpu.vector_load %arg6[%get3A_1242, %get3A_1243, %get3A_1244] {strides = array<i32>} : memref<20x32x128xf32, #tpu.memory_space<vmem>>, vector<1x1x16xf32>,
      %get3A_1246 = vector.shape_cast %get3A_1245 : vector<1x1x16xf32> to vector<16xf32>
      %add3A_1247 = arith.addf %add3A_1240, %get3A_1246 : vector<16xf32>
      %swap3A_1248 = arith.index_cast %scan3A_966 : i32 to index
      %swap3A_1249 = arith.constant 16 : index
      %swap3A_1250 = tpu.vector_load %arg7[%swap3A_1248, %swap3A_1249] {strides = array<i32>} : memref<32x32xf32, #tpu.memory_space<vmem>>, vector<1x16xf32>,
      %swap3A_1251 = vector.shape_cast %swap3A_1250 : vector<1x16xf32> to vector<16xf32>
      %swap3A_1252 = vector.shape_cast %add3A_1247 : vector<16xf32> to vector<1x16xf32>
      tpu.vector_store %arg7[%swap3A_1248, %swap3A_1249], %swap3A_1252 {strides = array<i32>} : memref<32x32xf32, #tpu.memory_space<vmem>>, vector<1x16xf32>,
    }
    %scan3A_965 = arith.constant 32 : i32
    "tpu.region"() ({
      %run_scoped3A = tpu.sem_alloc : memref<!tpu.dma_semaphore, #tpu.memory_space<semaphore_mem>>
      %dma_start3A_966 = arith.constant 0 : i32
      %dma_start3A_967 = tpu.memref_slice %arg4[%mul3A_2, %dma_start3A_966] : memref<1024x32xf32, #tpu.memory_space<hbm>> -> memref<32x32xf32, #tpu.memory_space<hbm>>
      %dma_start3A_968 = arith.constant 0 : i32
      %dma_start3A_969 = tpu.memref_slice %arg4[%mul3A_2, %dma_start3A_968] : memref<1024x32xf32, #tpu.memory_space<hbm>> -> memref<32x32xf32, #tpu.memory_space<hbm>>
      tpu.enqueue_dma source(%arg7 : memref<32x32xf32, #tpu.memory_space<vmem>>) target(%dma_start3A_969 : memref<32x32xf32, #tpu.memory_space<hbm>>) target_semaphore(%run_scoped3A : memref<!tpu.dma_semaphore, #tpu.memory_space<semaphore_mem>>)
      %dma_wait3A_970 = arith.constant 0 : i32
      %dma_wait3A_971 = tpu.memref_slice %arg4[%mul3A_2, %dma_wait3A_970] : memref<1024x32xf32, #tpu.memory_space<hbm>> -> memref<32x32xf32, #tpu.memory_space<hbm>>
      %dma_wait3A_972 = arith.constant 0 : i32
      %dma_wait3A_973 = tpu.memref_slice %arg4[%mul3A_2, %dma_wait3A_972] : memref<1024x32xf32, #tpu.memory_space<hbm>> -> memref<32x32xf32, #tpu.memory_space<hbm>>
      tpu.wait_dma2 semaphore(%run_scoped3A : memref<!tpu.dma_semaphore, #tpu.memory_space<semaphore_mem>>) src(%arg7 : memref<32x32xf32, #tpu.memory_space<vmem>>) dst(%dma_wait3A_973 : memref<32x32xf32, #tpu.memory_space<hbm>>)
      tpu.yield
    }) : () -> ()
    return
  }
}

module attributes {stable_mosaic.version = 14 : i64} {
  func.func @_dt_body(%arg0: i32, %arg1: memref<32x2048xf32, #tpu.memory_space<vmem>>, %arg2: memref<2048x128xf32, #tpu.memory_space<vmem>>) attributes {dimension_semantics = [#tpu.dimension_semantics<arbitrary>], iteration_bounds = array<i64: 49>, scalar_prefetch = 0 : i64, scratch_operands = 0 : i64, tpu.core_type = #tpu.core_type<tc>, window_params = [{transform_indices = @transform_0, window_bounds = array<i64: 32, 2048>}, {transform_indices = @transform_1, window_bounds = array<i64: 2048, 128>}]} {
    %iota3A = tpu.iota {dimensions = array<i32: 0>} : vector<32x32xi32>
    %iota3A_0 = tpu.iota {dimensions = array<i32: 1>} : vector<32x32xi32>
    %eq3A = arith.cmpi eq, %iota3A, %iota3A_0 : vector<32x32xi32>
    %convert_element_type3A = arith.extui %eq3A : vector<32x32xi1> to vector<32x32xi32>
    %convert_element_type3A_1 = arith.sitofp %convert_element_type3A : vector<32x32xi32> to vector<32x32xf32>
    %get3A = arith.constant 0 : index
    %get3A_2 = arith.constant 0 : index
    %get3A_3 = vector.load %arg1[%get3A, %get3A_2] : memref<32x2048xf32, #tpu.memory_space<vmem>>, vector<32x2048xf32>
    %dot_general3A = arith.constant dense<0.000000e+00> : vector<2048x32xf32>
    %dot_general3A_4 = tpu.matmul %get3A_3, %convert_element_type3A_1, %dot_general3A {dimension_numbers = #tpu.dot_dimension_numbers<[0], [0], [1], [1], [0, 1, 1, 1], [], []>, precision = #tpu.contract_precision<fp32>, transpose_lhs_hint = false} : vector<32x2048xf32>, vector<32x32xf32>, vector<2048x32xf32> -> vector<2048x32xf32>
    %concatenate3A = tpu.concatenate %dot_general3A_4, %dot_general3A_4, %dot_general3A_4, %dot_general3A_4 in 1 : vector<2048x32xf32>, vector<2048x32xf32>, vector<2048x32xf32>, vector<2048x32xf32> -> vector<2048x128xf32>
    %swap3A = arith.constant 0 : index
    %swap3A_5 = arith.constant 0 : index
    %swap3A_6 = vector.load %arg2[%swap3A, %swap3A_5] : memref<2048x128xf32, #tpu.memory_space<vmem>>, vector<2048x128xf32>
    tpu.vector_store %arg2[%swap3A, %swap3A_5], %concatenate3A {strides = array<i32>} : memref<2048x128xf32, #tpu.memory_space<vmem>>, vector<2048x128xf32>,
    return
  }
  func.func @transform_0(%arg0: i32) -> (i32, i32) {
    %c0_i32 = arith.constant 0 : i32
    %c0_i32_0 = arith.constant 0 : i32
    return %c0_i32, %arg0 : i32, i32
  }
  func.func @transform_1(%arg0: i32) -> (i32, i32) {
    %c0_i32 = arith.constant 0 : i32
    %c0_i32_0 = arith.constant 0 : i32
    return %arg0, %c0_i32 : i32, i32
  }
}

module attributes {stable_mosaic.version = 14 : i64} {
  func.func @_mm_body(%arg0: i32, %arg1: memref<32x2048xf32, #tpu.memory_space<vmem>>, %arg2: memref<1024x32xf32, #tpu.memory_space<vmem>>, %arg3: memref<1x2048xf32, #tpu.memory_space<vmem>>, %arg4: memref<2048x1024xf32, #tpu.memory_space<vmem>>) attributes {dimension_semantics = [#tpu.dimension_semantics<arbitrary>], iteration_bounds = array<i64: 49>, scalar_prefetch = 0 : i64, scratch_operands = 0 : i64, tpu.core_type = #tpu.core_type<tc>, window_params = [{transform_indices = @transform_0, window_bounds = array<i64: 32, 2048>}, {pipeline_mode = #tpu.pipeline_mode<synchronous>, transform_indices = @transform_1, window_bounds = array<i64: 1024, 32>}, {transform_indices = @transform_2, window_bounds = array<i64: 1, 2048>}, {transform_indices = @transform_3, window_bounds = array<i64: 2048, 1024>}]} {
    %get3A = arith.constant 0 : index
    %get3A_0 = arith.constant 0 : index
    %get3A_1 = vector.load %arg1[%get3A, %get3A_0] : memref<32x2048xf32, #tpu.memory_space<vmem>>, vector<32x2048xf32>
    %get3A_2 = arith.constant 0 : index
    %get3A_3 = arith.constant 0 : index
    %get3A_4 = vector.load %arg2[%get3A_2, %get3A_3] : memref<1024x32xf32, #tpu.memory_space<vmem>>, vector<1024x32xf32>
    %dot_general3A = arith.constant dense<0.000000e+00> : vector<2048x1024xf32>
    %dot_general3A_5 = tpu.matmul %get3A_1, %get3A_4, %dot_general3A {dimension_numbers = #tpu.dot_dimension_numbers<[0], [1], [1], [0], [0, 1, 1, 0], [], []>, transpose_lhs_hint = false} : vector<32x2048xf32>, vector<1024x32xf32>, vector<2048x1024xf32> -> vector<2048x1024xf32>
    %get3A_6 = arith.constant 0 : index
    %get3A_7 = arith.constant 0 : index
    %get3A_8 = vector.load %arg3[%get3A_6, %get3A_7] : memref<1x2048xf32, #tpu.memory_space<vmem>>, vector<1x2048xf32>
    %transpose3A = tpu.transpose %get3A_8, [1, 0] : vector<1x2048xf32> -> vector<2048x1xf32>
    %add3A = vector.broadcast %transpose3A : vector<2048x1xf32> to vector<2048x1024xf32>
    %add3A_9 = arith.addf %dot_general3A_5, %add3A : vector<2048x1024xf32>
    %swap3A = arith.constant 0 : index
    %swap3A_10 = arith.constant 0 : index
    %swap3A_11 = vector.load %arg4[%swap3A, %swap3A_10] : memref<2048x1024xf32, #tpu.memory_space<vmem>>, vector<2048x1024xf32>
    tpu.vector_store %arg4[%swap3A, %swap3A_10], %add3A_9 {strides = array<i32>} : memref<2048x1024xf32, #tpu.memory_space<vmem>>, vector<2048x1024xf32>,
    return
  }
  func.func @transform_0(%arg0: i32) -> (i32, i32) {
    %c0_i32 = arith.constant 0 : i32
    %c0_i32_0 = arith.constant 0 : i32
    return %c0_i32, %arg0 : i32, i32
  }
  func.func @transform_1(%arg0: i32) -> (i32, i32) {
    %c0_i32 = arith.constant 0 : i32
    %c0_i32_0 = arith.constant 0 : i32
    %c0_i32_1 = arith.constant 0 : i32
    return %c0_i32, %c0_i32_0 : i32, i32
  }
  func.func @transform_2(%arg0: i32) -> (i32, i32) {
    %c0_i32 = arith.constant 0 : i32
    %c0_i32_0 = arith.constant 0 : i32
    return %c0_i32, %arg0 : i32, i32
  }
  func.func @transform_3(%arg0: i32) -> (i32, i32) {
    %c0_i32 = arith.constant 0 : i32
    %c0_i32_0 = arith.constant 0 : i32
    return %arg0, %c0_i32 : i32, i32
  }
}

</mosaic_0001>

<sc_bundles>
// kernel: kernel.5.cloned.1.call-start
scs
__scs_entry_jumppad:
0x0: {  	(pc) =	sbr.rel $0x88, $3  }
0x1: {  	(tag) =	ssettag $0x0;
	lr =	simm.s32 $0x1  }
0x2: {  	[smem:$0x3F9D] =	sst lr;
	_ =	strace $0xD0000000  }
0x3: {  	_ = 	snop  }
0x4: {  	_ = 	snop  }
0x5: {  	_ = 	snop  }
0x6: {  	_ = 	snop  }
0x7: {  	_ = 	snop  }
__scs_overlays_trampoline_lowered:
0x8: {  	[smem:$0x3FAC] =	sst s0  }
0x9: {  	[smem:$0x3FAD] =	sst s1  }
0xa: {  	[smem:$0x3FAE] =	sst s2  }
0xb: {  	[smem:$0x3FAF] =	sst s3  }
0xc: {  	[smem:$0x3FB0] =	sst s4  }
0xd: {  	[smem:$0x3FB1] =	sst s5  }
0xe: {  	[smem:$0x3FB2] =	sst s6  }
0xf: {  	[smem:$0x3FB3] =	sst s7  }
0x10: {  	[smem:$0x3FB4] =	sst s8  }
0x11: {  	[smem:$0x3FB5] =	sst s9;
	s0 =	simm.s32 @!p0 $0x0  }
0x12: {  	s1 =	sld [smem:$0x3F9B];
	s0 =	simm.s32 @p0 $0x1  }
0x13: {  	[smem:$0x3FB6] =	sst s0;
	s0 =	simm.s32 @!p1 $0x0  }
0x14: {  	s2 =	sld [smem:$0x3F9A];
	s0 =	simm.s32 @p1 $0x1  }
0x15: {  	[smem:$0x3FB7] =	sst s0;
	s0 =	simm.s32 @!p2 $0x0  }
0x16: {  	s3 =	sld [smem:$0x3FDB];
	s0 =	simm.s32 @p2 $0x1  }
0x17: {  	s4 =	simm.s32 $0x1BF5;
	[smem:$0x3FB9] =	sst s0  }
0x18: {  	s0 =	sld [smem:$0x3F9C];
	_ =	swait.ge [sflag:s4], $0x0  }
0x19: {  	s7 =	sld [smem:$0x3F9D]  }
0x1a: {  	s8 =	sadd.s32 $0xFFFFE003, lr  }
0x1b: {  	s9 =	sadd.s32 $0xFFFFFEF7, lr;
	s5 =	simm.s32 $0xFFFFFFFF;
	p2 =	slt.u32 s8, $0xFFFFF086  }
0x1c: {  	p1 =	slt.u32 s9, $0xF7A;
	s5 =	simm.s32 @!p2 $0x0  }
0x1d: {  	s5 =	simm.s32 @p1 $0x1;
	p0 =	seq.s32 s7, s2  }
0x1e: {  	s7 =	smul.u32 @!p0 $0xF7A, s2;
	p2 =	seq.s32 @!p0 s5, $0x0  }
0x1f: {  	s9 =	smul.u32 $0xF7A, s1;
	s8 =	simm.s32 @!p0 $0x1BF5;
	p2 =	por !p2, p0  }
0x20: {  	[sflag:s8] =	ssyncset.s32 @!p0 $0xFFFFF086;
	s6 =	sadd.s32 @!p0 s3, s7;
	s7 =	simm.s32 @!p0 $0x108  }
0x21: {  	s3 =	sadd.s32 s3, s9;
	s6 =	sadd.s32 @!p0 $0x88, s6;
	s7 =	simm.s32 @p2 $0x1082  }
0x22: {  	[simem:s7], [sflag:s8] =	dma.local @!p0 [hbm:s6], $0xF7A  }
0x23: {  	s9 =	sor.u32 $0xD0000000, s2;
	s6 =	simm.s32 $0x108;
	_ =	swait.ge @!p0 [sflag:s8], $0x0  }
0x24: {  	s3 =	sadd.s32 $0x88, s3;
	s6 =	simm.s32 @!p1 $0x1082;
	[sflag:s4] =	ssyncset.s32 $0xFFFFF086  }
0x25: {  	[simem:s6], [sflag:s4] =	dma.local [hbm:s3], $0xF7A  }
0x26: {  	[smem:$0x3F9D] =	sst s1;
	(tag) =	ssettag s2;
	_ =	strace s9  }
0x27: {  	s1 =	sld [smem:$0x3FAD]  }
0x28: {  	s2 =	sld [smem:$0x3FAE]  }
0x29: {  	s4 =	sld [smem:$0x3FB0]  }
0x2a: {  	p0 =	seq.s32 s5, $0x0;
	s5 =	sld [smem:$0x3FB1]  }
0x2b: {  	s6 =	sld [smem:$0x3FB2]  }
0x2c: {  	s7 =	sld [smem:$0x3FB3]  }
0x2d: {  	s3 =	simm.s32 $0x108;
	s8 =	sld [smem:$0x3FB4]  }
0x2e: {  	s3 =	simm.s32 @!p0 $0x1082;
	s9 =	sld [smem:$0x3FB5]  }
0x2f: {  	lr =	sadd.s32 s0, s3;
	s0 =	sld [smem:$0x3FAC]  }
0x30: {  	s3 =	sld [smem:$0x3FAF]  }
0x31: {  	[smem:$0x3FB8] =	sst s10  }
0x32: {  	s10 =	sld [smem:$0x3FB6];
	_ =	sdelay $0x3  }
0x33: {  	p0 =	seq.s32 s10, $0x1;
	s10 =	sld [smem:$0x3FB8];
	_ =	sdelay $0x3  }
0x34: {  	[smem:$0x3FB8] =	sst s10  }
0x35: {  	s10 =	sld [smem:$0x3FB7];
	_ =	sdelay $0x3  }
0x36: {  	p1 =	seq.s32 s10, $0x1;
	s10 =	sld [smem:$0x3FB8];
	_ =	sdelay $0x3  }
0x37: {  	[smem:$0x3FB8] =	sst s10  }
0x38: {  	s10 =	sld [smem:$0x3FB9]  }
0x39: {  	_ = 	snop;
	(pc) =	sbr.ind lr, $3  }
0x3a: {  	_ = 	snop  }
0x3b: {  	_ = 	snop  }
0x3c: {  	p2 =	seq.s32 s10, $0x1;
	s10 =	sld [smem:$0x3FB8]  }
0x3d: {  	_ =	shalt  }
0x3e: {  	_ =	shalt  }
0x3f: {  	_ =	shalt  }
0x40: {  	_ =	shalt  }
0x41: {  	_ =	shalt  }
0x42: {  	_ =	shalt  }
0x43: {  	_ =	shalt  }
0x44: {  	_ =	shalt  }
0x45: {  	_ =	shalt  }
0x46: {  	_ =	shalt  }
0x47: {  	_ =	shalt  }
0x48: {  	_ =	shalt  }
0x49: {  	_ =	shalt  }
0x4a: {  	_ =	shalt  }
0x4b: {  	_ =	shalt  }
0x4c: {  	_ =	shalt  }
0x4d: {  	_ =	shalt  }
0x4e: {  	_ =	shalt  }
0x4f: {  	_ =	shalt  }
0x50: {  	_ =	shalt  }
0x51: {  	_ =	shalt  }
0x52: {  	_ =	shalt  }
0x53: {  	_ =	shalt  }
0x54: {  	_ =	shalt  }
0x55: {  	_ =	shalt  }
0x56: {  	_ =	shalt  }
0x57: {  	_ =	shalt  }
0x58: {  	_ =	shalt  }
0x59: {  	_ =	shalt  }
0x5a: {  	_ =	shalt  }
0x5b: {  	_ =	shalt  }
0x5c: {  	_ =	shalt  }
0x5d: {  	_ =	shalt  }
0x5e: {  	_ =	shalt  }
0x5f: {  	_ =	shalt  }
0x60: {  	_ =	shalt  }
0x61: {  	_ =	shalt  }
0x62: {  	_ =	shalt  }
0x63: {  	_ =	shalt  }
0x64: {  	_ =	shalt  }
0x65: {  	_ =	shalt  }
0x66: {  	_ =	shalt  }
0x67: {  	_ =	shalt  }
0x68: {  	_ =	shalt  }
0x69: {  	_ =	shalt  }
0x6a: {  	_ =	shalt  }
0x6b: {  	_ =	shalt  }
0x6c: {  	_ =	shalt  }
0x6d: {  	_ =	shalt  }
0x6e: {  	_ =	shalt  }
0x6f: {  	_ =	shalt  }
0x70: {  	_ =	shalt  }
0x71: {  	_ =	shalt  }
0x72: {  	_ =	shalt  }
0x73: {  	_ =	shalt  }
0x74: {  	_ =	shalt  }
0x75: {  	_ =	shalt  }
0x76: {  	_ =	shalt  }
0x77: {  	_ =	shalt  }
0x78: {  	_ =	shalt  }
0x79: {  	_ =	shalt  }
0x7a: {  	_ =	shalt  }
0x7b: {  	_ =	shalt  }
0x7c: {  	_ =	shalt  }
0x7d: {  	_ =	shalt  }
0x7e: {  	_ =	shalt  }
0x7f: {  	_ =	shalt  }
0x80: {  	_ =	shalt  }
0x81: {  	_ =	shalt  }
0x82: {  	_ =	shalt  }
0x83: {  	_ =	shalt  }
0x84: {  	_ =	shalt  }
0x85: {  	_ =	shalt  }
0x86: {  	_ =	shalt  }
0x87: {  	_ =	shalt  }
.Lfunc_end0:
.L_simem_size_0:
called_computation_lowered:
.L_overlay_start_0:
0x88: {  	s2 =	sld [smem:$0x3FD9]  }
0x89: {  	s3 =	sld [smem:$0x3FFE];
	_ =	sdelay $0x1  }
0x8a: {  	s1 =	srdreg.scid  }
0x8b: {  	s0 =	sand.u32 $0x1, s1  }
0x8c: {  	s17 =	sshll.u32 s0, $0xA;
	s2 =	sadd.s32 s3, s2  }
0x8d: {  	s2 =	sadd.s32 s2, s17  }
0x8e: {  	[smem:$0x3FC4] =	sst s2  }
0x8f: {  	_ = 	snop  }
0x90: {  	s2 =	sld [smem:$0x3FD0];
	(tm) =	ssettm $0x1  }
0x91: {  	s18 =	sld [smem:$0x3FFB];
	_ =	sdelay $0x3  }
0x92: {  	_ =	strace s18  }
0x93: {  	s3 =	sld [smem:$0x3FFC];
	_ =	sdelay $0x3  }
0x94: {  	_ =	strace s3  }
0x95: {  	s3 =	sld [smem:$0x3FFD];
	_ =	sdelay $0x3  }
0x96: {  	_ =	strace s3  }
0x97: {  	_ =	strace $0x8FFFFFFF  }
0x98: {  	s19 =	sld [smem:$0x3FDB];
	_ =	sdelay $0x1  }
0x99: {  	s4 =	simm.s32 $_scs_section_size  }
0x9a: {  	s5 =	simm.s32 $_size__tile_overlayer_lowered;
	s6 =	simm.s32 $_tile_overlayer_lowered  }
0x9b: {  	s22 =	simm.s32 $0x1BFF;
	s21 =	sshll.u32 s6, $0x1;
	s3 =	sadd.s32 s4, s19  }
0x9c: {  	s7 =	simm.s32 $0x0;
	s20 =	sshll.u32 s5, $0x1;
	s5 =	sadd.s32 s21, s3  }
0x9d: {  	[timem:s7], [sflag:s22] =	dma.local [hbm:s5], s20  }
0x9e: {  	_ =	swait.ge [sflag:s22], s20  }
0x9f: {  	s4 =	ssub.s32 $0x0, s20;
	[sflag:s22] =	ssyncset.done $0x0  }
0xa0: {  	[sflag:s22] =	ssyncadd.s32 s4;
	_ =	sdelay $0x1  }
0xa1: {  	s23 =	simm.s32 $0x1B8B  }
0xa2: {  	_ =	swait.ge [sflag:s23], $0x1  }
0xa3: {  	[sflag:s23] =	ssyncset.done $0x0  }
0xa4: {  	s25 =	simm.s32 $0x1B8E;
	s24 =	sld [smem:$0x3FFE];
	[sflag:s23] =	ssyncadd.s32 $0xFFFFFFFF  }
0xa5: {  	s26 =	simm.s32 $execute0_lowered;
	[smem:$0x3FD2] =	sst s25  }
0xa6: {  	s5 =	sshll.u32 s26, $0x1;
	_ =	strace $0x80000046;
	[dreg:$0x1] =	wrdreg $0xFFFFFFFF  }
0xa7: {  	s28 =	simm.s32 $_size_execute0_lowered;
	s3 =	sadd.s32 s3, s5;
	[dreg:$0x0] =	wrdreg $0x0  }
0xa8: {  	s5 =	sshll.u32 s28, $0x1;
	[dreg:$0x2] =	wrdreg s3  }
0xa9: {  	[dreg:$0x3] =	wrdreg s5  }
0xaa: {  	[dreg:$0x4] =	wrdreg $0xC0  }
0xab: {  	_ =	task [dreg:s7], $0x5FFFF  }
0xac: {  	[dreg:$0x1] =	wrdreg $0xFFFFFFFF  }
0xad: {  	[dreg:$0x0] =	wrdreg $0x60  }
0xae: {  	[dreg:$0x2] =	wrdreg s24  }
0xaf: {  	[dreg:$0x3] =	wrdreg s2  }
0xb0: {  	[dreg:$0x4] =	wrdreg $0x9  }
0xb1: {  	_ =	task.clear_ibuf [dreg:s7], $0x5FFFF;
	_ =	strace $0x90000046  }
0xb2: {  	s29 =	simm.s32 $0x9;
	_ =	strace $0x80000048  }
0xb3: {  	_ =	swait.ge [sflag:s29], $0x1  }
0xb4: {  	[sflag:s29] =	ssyncadd.s32 $0xFFFFFFFF  }
0xb5: {  	_ =	strace $0x90000048  }
0xb6: {  	_ =	sfence  }
0xb7: {  	s30 =	sld [smem:$0x0];
	_ =	sdelay $0x2  }
0xb8: {  	s31 =	sshll.u32 s1, $0xD;
	s1 =	sshrl.u32 s1, $0x2  }
0xb9: {  	s3 =	sand.u32 $0x4000, s31;
	s1 =	sadd.s32 s1, s30  }
0xba: {  	s0 =	sor.u32 s3, s0;
	s1 =	sshll.u32 s1, $0x11  }
0xbb: {  	s0 =	sor.u32 s1, s0  }
0xbc: {  	s0 =	sadd.s32 $0x8F2B, s0  }
0xbd: {  	[sflag:s0] =	ssyncadd.remote.s32 $0x1  }
0xbe: {  	_ =	sfence.sel $0xFFFF  }
0xbf: {  	[dreg:$0x0] =	wrdreg $0xFFFFFFFF;
	(pc) =	sbr.abs _section_cstart, $3  }
0xc0: {  	[dreg:$0x1] =	wrdreg $0xFFFFFFFF  }
0xc1: {  	_ =	task.clear_ibuf [dreg:s7], $0x2FFFF;
	_ =	strace $0x9FFFFFFF  }
0xc2: {  	(tm) =	ssettm $0x7FFFFFFF  }
0xc3: {  	_ =	shalt  }
tec
execute0_lowered:
.L_overlay_start_1:
0x0: {  	(tag) =	ssettag $0x1  }
0x1: {  	s1 =	srdreg.scid  }
0x2: {  	s4 =	stileid.u32;
	s1 =	sand.u32 $0x1, s1  }
0x3: {  	s4 =	sshll.u32 s4, $0x6;
	s5 =	sshll.u32 s1, $0x5  }
0x4: {  	s4 =	sor.u32 s5, s4  }
0x5: {  	s0 =	rddreg [dreg:$0x0];
	s5 =	sshrl.u32 s4, $0x3  }
0x6: {  	s2 =	rddreg [dreg:$0x1];
	s3 =	simm.s32 $0x0;
	s5 =	sadd.s32 s5, s0  }
0x7: {  	[smem:$0x7FF] =	sst s3;
	s12 =	sadd.s32 $0x1800, s5  }
0x8: {  	_ =	strace $0x80000047;
	s13 =	sadd.s32 $0x1880, s5;
	[dreg:$0x3] =	wrdreg s12  }
0x9: {  	s14 =	sadd.s32 $0x1900, s5;
	[dreg:$0x4] =	wrdreg s13  }
0xa: {  	s15 =	sadd.s32 $0x1980, s5;
	[dreg:$0x5] =	wrdreg s14  }
0xb: {  	s30 =	simm.s32 $0x80;
	s16 =	sadd.s32 $0x1A00, s5;
	[dreg:$0x6] =	wrdreg s15  }
0xc: {  	s31 =	simm.s32 $0xA0;
	s17 =	sadd.s32 $0x1A80, s5;
	[dreg:$0x7] =	wrdreg s16  }
0xd: {  	s6 =	simm.s32 $0x140;
	s18 =	sadd.s32 $0x1B00, s5;
	[dreg:$0x8] =	wrdreg s17  }
0xe: {  	s7 =	simm.s32 $0x160;
	s19 =	sadd.s32 $0x1B80, s5;
	[dreg:$0x9] =	wrdreg s18  }
0xf: {  	s8 =	simm.s32 $0x180;
	s20 =	sadd.s32 $0x1C00, s5;
	[dreg:$0xa] =	wrdreg s19  }
0x10: {  	s9 =	simm.s32 $0x1A0;
	s21 =	sadd.s32 $0x1C80, s5;
	[dreg:$0xb] =	wrdreg s20  }
0x11: {  	s10 =	simm.s32 $0x1C0;
	s22 =	sadd.s32 $0x1D00, s5;
	[dreg:$0xc] =	wrdreg s21  }
0x12: {  	s1 =	ssub.s32 $0x2, s1;
	s23 =	sadd.s32 $0x1D80, s5;
	[dreg:$0xd] =	wrdreg s22  }
0x13: {  	s11 =	sshrl.u32 s1, $0x1;
	s24 =	sadd.s32 $0x1E00, s5;
	[dreg:$0xe] =	wrdreg s23  }
0x14: {  	s4 =	sshll.u32 s4, $0x2;
	s25 =	sadd.s32 $0x1E80, s5;
	[dreg:$0xf] =	wrdreg s24  }
0x15: {  	s1 =	ssub.s32 s1, s11;
	s26 =	sadd.s32 $0x1F00, s5;
	[dreg:$0x10] =	wrdreg s25  }
0x16: {  	s11 =	simm.s32 $0x1E0;
	s28 =	sadd.s32 $0x1F80, s5;
	[dreg:$0x11] =	wrdreg s26  }
0x17: {  	s0 =	sadd.s32 s4, s0;
	s29 =	sadd.s32 $0x2000, s5;
	[dreg:$0x12] =	wrdreg s28  }
0x18: {  	s4 =	simm.s32 $0x100;
	[dreg:$0x13] =	wrdreg s29;
	s21 =	sadd.s32 $0x2080, s5  }
0x19: {  	s22 =	sadd.s32 $0x2100, s5;
	s23 =	sadd.s32 $0x2180, s5;
	s24 =	sadd.s32 $0x2200, s0  }
0x1a: {  	s25 =	smax.u32 s1, $0x1;
	s26 =	simm.s32 $0x20;
	s0 =	simm.s32 $0xC0  }
0x1b: {  	s1 =	simm.s32 $0xE0;
	s5 =	simm.s32 $0x120;
	s12 =	simm.s32 $0x200  }
0x1c: {  	s13 =	simm.s32 $0x220;
	s14 =	simm.s32 $0x240;
	s15 =	simm.s32 $0x260  }
0x1d: {  	s16 =	simm.s32 $0x1;
	s17 =	simm.s32 $0x2;
	s18 =	simm.s32 $0x0  }
.LBB2_1:
0x1e: {  	s19 =	rddreg [dreg:$0x3]  }
0x1f: {  	[tilespmem:s3], [sflag:$0x1] =	stream.linear.gather [hbm4b:s19+s3], $0x20, $0x38;
	[tilespmem:$0x14680] =	vst v63  }
0x20: {  	s20 =	rddreg [dreg:$0x4]  }
0x21: {  	[tilespmem:s26], [sflag:$0x1] =	stream.linear.gather [hbm4b:s20+s3], $0x20, $0x38;
	[tilespmem:$0x14680] =	vst v63  }
0x22: {  	s29 =	rddreg [dreg:$0x5];
	s20 =	simm.s32 $0x40  }
0x23: {  	[tilespmem:s20], [sflag:$0x1] =	stream.linear.gather [hbm4b:s29+s3], $0x20, $0x38;
	[tilespmem:$0x14680] =	vst v63  }
0x24: {  	s28 =	simm.s32 $0x60;
	s29 =	rddreg [dreg:$0x6]  }
0x25: {  	[tilespmem:s28], [sflag:$0x1] =	stream.linear.gather [hbm4b:s29+s3], $0x20, $0x38;
	[tilespmem:$0x14680] =	vst v63  }
0x26: {  	s29 =	rddreg [dreg:$0x7]  }
0x27: {  	[tilespmem:s30], [sflag:$0x1] =	stream.linear.gather [hbm4b:s29+s3], $0x20, $0x38;
	[tilespmem:$0x14680] =	vst v63  }
0x28: {  	s29 =	rddreg [dreg:$0x8]  }
0x29: {  	[tilespmem:s31], [sflag:$0x1] =	stream.linear.gather [hbm4b:s29+s3], $0x20, $0x38;
	[tilespmem:$0x14680] =	vst v63  }
0x2a: {  	s29 =	rddreg [dreg:$0x9]  }
0x2b: {  	[tilespmem:s0], [sflag:$0x1] =	stream.linear.gather [hbm4b:s29+s3], $0x20, $0x38;
	[tilespmem:$0x14680] =	vst v63  }
0x2c: {  	s29 =	rddreg [dreg:$0xa]  }
0x2d: {  	[tilespmem:s1], [sflag:$0x1] =	stream.linear.gather [hbm4b:s29+s3], $0x20, $0x38;
	[tilespmem:$0x14680] =	vst v63  }
0x2e: {  	s29 =	rddreg [dreg:$0xb]  }
0x2f: {  	[tilespmem:s4], [sflag:$0x1] =	stream.linear.gather [hbm4b:s29+s3], $0x20, $0x38;
	[tilespmem:$0x14680] =	vst v63  }
0x30: {  	s29 =	rddreg [dreg:$0xc]  }
0x31: {  	[tilespmem:s5], [sflag:$0x1] =	stream.linear.gather [hbm4b:s29+s3], $0x20, $0x38;
	[tilespmem:$0x14680] =	vst v63  }
0x32: {  	s29 =	rddreg [dreg:$0xd]  }
0x33: {  	[tilespmem:s6], [sflag:$0x1] =	stream.linear.gather [hbm4b:s29+s3], $0x20, $0x38;
	[tilespmem:$0x14680] =	vst v63  }
0x34: {  	s29 =	rddreg [dreg:$0xe]  }
0x35: {  	[tilespmem:s7], [sflag:$0x1] =	stream.linear.gather [hbm4b:s29+s3], $0x20, $0x38;
	[tilespmem:$0x14680] =	vst v63  }
0x36: {  	s29 =	rddreg [dreg:$0xf]  }
0x37: {  	[tilespmem:s8], [sflag:$0x1] =	stream.linear.gather [hbm4b:s29+s3], $0x20, $0x38;
	[tilespmem:$0x14680] =	vst v63  }
0x38: {  	s29 =	rddreg [dreg:$0x10]  }
0x39: {  	[tilespmem:s9], [sflag:$0x1] =	stream.linear.gather [hbm4b:s29+s3], $0x20, $0x38;
	[tilespmem:$0x14680] =	vst v63  }
0x3a: {  	s29 =	rddreg [dreg:$0x11]  }
0x3b: {  	[tilespmem:s10], [sflag:$0x1] =	stream.linear.gather [hbm4b:s29+s3], $0x20, $0x38;
	[tilespmem:$0x14680] =	vst v63  }
0x3c: {  	s29 =	rddreg [dreg:$0x12]  }
0x3d: {  	[tilespmem:s11], [sflag:$0x1] =	stream.linear.gather [hbm4b:s29+s3], $0x20, $0x38;
	[tilespmem:$0x14680] =	vst v63  }
0x3e: {  	s29 =	rddreg [dreg:$0x13]  }
0x3f: {  	[tilespmem:s12], [sflag:$0x1] =	stream.linear.gather [hbm4b:s29+s3], $0x20, $0x38;
	[tilespmem:$0x14680] =	vst v63  }
0x40: {  	_ = 	snop  }
0x41: {  	[tilespmem:s13], [sflag:$0x1] =	stream.linear.gather [hbm4b:s21+s3], $0x20, $0x38;
	[tilespmem:$0x14680] =	vst v63  }
0x42: {  	_ = 	snop  }
0x43: {  	[tilespmem:s14], [sflag:$0x1] =	stream.linear.gather [hbm4b:s22+s3], $0x20, $0x38;
	[tilespmem:$0x14680] =	vst v63  }
0x44: {  	_ = 	snop  }
0x45: {  	[tilespmem:s15], [sflag:$0x1] =	stream.linear.gather [hbm4b:s23+s3], $0x20, $0x38;
	[tilespmem:$0x14680] =	vst v63  }
0x46: {  	_ =	swait.ge [sflag:s16], $0x20  }
0x47: {  	[sflag:s16] =	ssyncset.done $0x0  }
0x48: {  	[sflag:s16] =	ssyncadd.s32 $0xFFFFFFE0  }
0x49: {  	_ =	swait.ge [sflag:s16], $0x20  }
0x4a: {  	[sflag:s16] =	ssyncset.done $0x0  }
0x4b: {  	[sflag:s16] =	ssyncadd.s32 $0xFFFFFFE0  }
0x4c: {  	_ =	swait.ge [sflag:s16], $0x20  }
0x4d: {  	[sflag:s16] =	ssyncset.done $0x0  }
0x4e: {  	[sflag:s16] =	ssyncadd.s32 $0xFFFFFFE0  }
0x4f: {  	_ =	swait.ge [sflag:s16], $0x20  }
0x50: {  	[sflag:s16] =	ssyncset.done $0x0  }
0x51: {  	[sflag:s16] =	ssyncadd.s32 $0xFFFFFFE0  }
0x52: {  	_ =	swait.ge [sflag:s16], $0x20  }
0x53: {  	[sflag:s16] =	ssyncset.done $0x0  }
0x54: {  	[sflag:s16] =	ssyncadd.s32 $0xFFFFFFE0  }
0x55: {  	_ =	swait.ge [sflag:s16], $0x20  }
0x56: {  	[sflag:s16] =	ssyncset.done $0x0  }
0x57: {  	[sflag:s16] =	ssyncadd.s32 $0xFFFFFFE0  }
0x58: {  	_ =	swait.ge [sflag:s16], $0x20  }
0x59: {  	[sflag:s16] =	ssyncset.done $0x0  }
0x5a: {  	[sflag:s16] =	ssyncadd.s32 $0xFFFFFFE0  }
0x5b: {  	_ =	swait.ge [sflag:s16], $0x20  }
0x5c: {  	[sflag:s16] =	ssyncset.done $0x0  }
0x5d: {  	[sflag:s16] =	ssyncadd.s32 $0xFFFFFFE0  }
0x5e: {  	_ =	swait.ge [sflag:s16], $0x20  }
0x5f: {  	[sflag:s16] =	ssyncset.done $0x0  }
0x60: {  	[sflag:s16] =	ssyncadd.s32 $0xFFFFFFE0  }
0x61: {  	_ =	swait.ge [sflag:s16], $0x20  }
0x62: {  	[sflag:s16] =	ssyncset.done $0x0  }
0x63: {  	[sflag:s16] =	ssyncadd.s32 $0xFFFFFFE0  }
0x64: {  	_ =	swait.ge [sflag:s16], $0x20  }
0x65: {  	[sflag:s16] =	ssyncset.done $0x0  }
0x66: {  	[sflag:s16] =	ssyncadd.s32 $0xFFFFFFE0  }
0x67: {  	_ =	swait.ge [sflag:s16], $0x20  }
0x68: {  	[sflag:s16] =	ssyncset.done $0x0  }
0x69: {  	[sflag:s16] =	ssyncadd.s32 $0xFFFFFFE0  }
0x6a: {  	_ =	swait.ge [sflag:s16], $0x20  }
0x6b: {  	[sflag:s16] =	ssyncset.done $0x0  }
0x6c: {  	[sflag:s16] =	ssyncadd.s32 $0xFFFFFFE0  }
0x6d: {  	_ =	swait.ge [sflag:s16], $0x20  }
0x6e: {  	[sflag:s16] =	ssyncset.done $0x0  }
0x6f: {  	[sflag:s16] =	ssyncadd.s32 $0xFFFFFFE0  }
0x70: {  	_ =	swait.ge [sflag:s16], $0x20  }
0x71: {  	[sflag:s16] =	ssyncset.done $0x0  }
0x72: {  	[sflag:s16] =	ssyncadd.s32 $0xFFFFFFE0  }
0x73: {  	_ =	swait.ge [sflag:s16], $0x20  }
0x74: {  	[sflag:s16] =	ssyncset.done $0x0  }
0x75: {  	[sflag:s16] =	ssyncadd.s32 $0xFFFFFFE0  }
0x76: {  	_ =	swait.ge [sflag:s16], $0x20  }
0x77: {  	[sflag:s16] =	ssyncset.done $0x0  }
0x78: {  	[sflag:s16] =	ssyncadd.s32 $0xFFFFFFE0  }
0x79: {  	_ =	swait.ge [sflag:s16], $0x20  }
0x7a: {  	[sflag:s16] =	ssyncset.done $0x0  }
0x7b: {  	[sflag:s16] =	ssyncadd.s32 $0xFFFFFFE0  }
0x7c: {  	_ =	swait.ge [sflag:s16], $0x20  }
0x7d: {  	[sflag:s16] =	ssyncset.done $0x0  }
0x7e: {  	[sflag:s16] =	ssyncadd.s32 $0xFFFFFFE0  }
0x7f: {  	_ =	swait.ge [sflag:s16], $0x20  }
0x80: {  	[sflag:s16] =	ssyncset.done $0x0  }
0x81: {  	s29 =	simm.s32 $0x280;
	[sflag:s16] =	ssyncadd.s32 $0xFFFFFFE0  }
0x82: {  	[tilespmem:s29], [sflag:$0x1] =	stream.indirect.gather [hbm4b:s2+s26], $0x80, s3, s26, $0xb8;
	[tilespmem:$0x14680] =	vst v63  }
0x83: {  	s29 =	simm.s32 $0x1280  }
0x84: {  	[tilespmem:s29], [sflag:$0x1] =	stream.indirect.gather [hbm4b:s2+s26], $0x80, s26, s26, $0xb8;
	[tilespmem:$0x14680] =	vst v63  }
0x85: {  	s29 =	simm.s32 $0x2280  }
0x86: {  	[tilespmem:s29], [sflag:$0x1] =	stream.indirect.gather [hbm4b:s2+s26], $0x80, s20, s26, $0xb8;
	[tilespmem:$0x14680] =	vst v63  }
0x87: {  	s20 =	simm.s32 $0x3280  }
0x88: {  	[tilespmem:s20], [sflag:$0x1] =	stream.indirect.gather [hbm4b:s2+s26], $0x80, s28, s26, $0xb8;
	[tilespmem:$0x14680] =	vst v63  }
0x89: {  	s29 =	simm.s32 $0x4280  }
0x8a: {  	[tilespmem:s29], [sflag:$0x1] =	stream.indirect.gather [hbm4b:s2+s26], $0x80, s30, s26, $0xb8;
	[tilespmem:$0x14680] =	vst v63  }
0x8b: {  	s20 =	simm.s32 $0x5280  }
0x8c: {  	[tilespmem:s20], [sflag:$0x1] =	stream.indirect.gather [hbm4b:s2+s26], $0x80, s31, s26, $0xb8;
	[tilespmem:$0x14680] =	vst v63  }
0x8d: {  	s29 =	simm.s32 $0x6280  }
0x8e: {  	[tilespmem:s29], [sflag:$0x1] =	stream.indirect.gather [hbm4b:s2+s26], $0x80, s0, s26, $0xb8;
	[tilespmem:$0x14680] =	vst v63  }
0x8f: {  	s20 =	simm.s32 $0x7280  }
0x90: {  	[tilespmem:s20], [sflag:$0x1] =	stream.indirect.gather [hbm4b:s2+s26], $0x80, s1, s26, $0xb8;
	[tilespmem:$0x14680] =	vst v63  }
0x91: {  	s29 =	simm.s32 $0x8280  }
0x92: {  	[tilespmem:s29], [sflag:$0x1] =	stream.indirect.gather [hbm4b:s2+s26], $0x80, s4, s26, $0xb8;
	[tilespmem:$0x14680] =	vst v63  }
0x93: {  	s20 =	simm.s32 $0x9280  }
0x94: {  	[tilespmem:s20], [sflag:$0x1] =	stream.indirect.gather [hbm4b:s2+s26], $0x80, s5, s26, $0xb8;
	[tilespmem:$0x14680] =	vst v63  }
0x95: {  	s29 =	simm.s32 $0xA280  }
0x96: {  	[tilespmem:s29], [sflag:$0x1] =	stream.indirect.gather [hbm4b:s2+s26], $0x80, s6, s26, $0xb8;
	[tilespmem:$0x14680] =	vst v63  }
0x97: {  	s20 =	simm.s32 $0xB280  }
0x98: {  	[tilespmem:s20], [sflag:$0x1] =	stream.indirect.gather [hbm4b:s2+s26], $0x80, s7, s26, $0xb8;
	[tilespmem:$0x14680] =	vst v63  }
0x99: {  	s29 =	simm.s32 $0xC280  }
0x9a: {  	[tilespmem:s29], [sflag:$0x1] =	stream.indirect.gather [hbm4b:s2+s26], $0x80, s8, s26, $0xb8;
	[tilespmem:$0x14680] =	vst v63  }
0x9b: {  	s20 =	simm.s32 $0xD280  }
0x9c: {  	[tilespmem:s20], [sflag:$0x1] =	stream.indirect.gather [hbm4b:s2+s26], $0x80, s9, s26, $0xb8;
	[tilespmem:$0x14680] =	vst v63  }
0x9d: {  	s29 =	simm.s32 $0xE280  }
0x9e: {  	[tilespmem:s29], [sflag:$0x1] =	stream.indirect.gather [hbm4b:s2+s26], $0x80, s10, s26, $0xb8;
	[tilespmem:$0x14680] =	vst v63  }
0x9f: {  	s20 =	simm.s32 $0xF280  }
0xa0: {  	[tilespmem:s20], [sflag:$0x1] =	stream.indirect.gather [hbm4b:s2+s26], $0x80, s11, s26, $0xb8;
	[tilespmem:$0x14680] =	vst v63  }
0xa1: {  	s29 =	simm.s32 $0x10280  }
0xa2: {  	[tilespmem:s29], [sflag:$0x1] =	stream.indirect.gather [hbm4b:s2+s26], $0x80, s12, s26, $0xb8;
	[tilespmem:$0x14680] =	vst v63  }
0xa3: {  	s20 =	simm.s32 $0x11280  }
0xa4: {  	[tilespmem:s20], [sflag:$0x1] =	stream.indirect.gather [hbm4b:s2+s26], $0x80, s13, s26, $0xb8;
	[tilespmem:$0x14680] =	vst v63  }
0xa5: {  	s29 =	simm.s32 $0x12280  }
0xa6: {  	[tilespmem:s29], [sflag:$0x1] =	stream.indirect.gather [hbm4b:s2+s26], $0x80, s14, s26, $0xb8;
	[tilespmem:$0x14680] =	vst v63  }
0xa7: {  	s20 =	simm.s32 $0x13280  }
0xa8: {  	[tilespmem:s20], [sflag:$0x1] =	stream.indirect.gather [hbm4b:s2+s26], $0x80, s15, s26, $0xb8;
	[tilespmem:$0x14680] =	vst v63  }
0xa9: {  	_ =	swait.ge [sflag:s16], $0x1000  }
0xaa: {  	[sflag:s16] =	ssyncset.done $0x0  }
0xab: {  	[sflag:s16] =	ssyncadd.s32 $0xFFFFF000  }
0xac: {  	_ =	swait.ge [sflag:s16], $0x1000  }
0xad: {  	[sflag:s16] =	ssyncset.done $0x0  }
0xae: {  	[sflag:s16] =	ssyncadd.s32 $0xFFFFF000  }
0xaf: {  	_ =	swait.ge [sflag:s16], $0x1000  }
0xb0: {  	[sflag:s16] =	ssyncset.done $0x0  }
0xb1: {  	[sflag:s16] =	ssyncadd.s32 $0xFFFFF000  }
0xb2: {  	_ =	swait.ge [sflag:s16], $0x1000  }
0xb3: {  	[sflag:s16] =	ssyncset.done $0x0  }
0xb4: {  	[sflag:s16] =	ssyncadd.s32 $0xFFFFF000  }
0xb5: {  	_ =	swait.ge [sflag:s16], $0x1000  }
0xb6: {  	[sflag:s16] =	ssyncset.done $0x0  }
0xb7: {  	[sflag:s16] =	ssyncadd.s32 $0xFFFFF000  }
0xb8: {  	_ =	swait.ge [sflag:s16], $0x1000  }
0xb9: {  	[sflag:s16] =	ssyncset.done $0x0  }
0xba: {  	[sflag:s16] =	ssyncadd.s32 $0xFFFFF000  }
0xbb: {  	_ =	swait.ge [sflag:s16], $0x1000  }
0xbc: {  	[sflag:s16] =	ssyncset.done $0x0  }
0xbd: {  	[sflag:s16] =	ssyncadd.s32 $0xFFFFF000  }
0xbe: {  	_ =	swait.ge [sflag:s16], $0x1000  }
0xbf: {  	[sflag:s16] =	ssyncset.done $0x0  }
0xc0: {  	[sflag:s16] =	ssyncadd.s32 $0xFFFFF000  }
0xc1: {  	_ =	swait.ge [sflag:s16], $0x1000  }
0xc2: {  	[sflag:s16] =	ssyncset.done $0x0  }
0xc3: {  	[sflag:s16] =	ssyncadd.s32 $0xFFFFF000  }
0xc4: {  	_ =	swait.ge [sflag:s16], $0x1000  }
0xc5: {  	[sflag:s16] =	ssyncset.done $0x0  }
0xc6: {  	[sflag:s16] =	ssyncadd.s32 $0xFFFFF000  }
0xc7: {  	_ =	swait.ge [sflag:s16], $0x1000  }
0xc8: {  	[sflag:s16] =	ssyncset.done $0x0  }
0xc9: {  	[sflag:s16] =	ssyncadd.s32 $0xFFFFF000  }
0xca: {  	_ =	swait.ge [sflag:s16], $0x1000  }
0xcb: {  	[sflag:s16] =	ssyncset.done $0x0  }
0xcc: {  	[sflag:s16] =	ssyncadd.s32 $0xFFFFF000  }
0xcd: {  	_ =	swait.ge [sflag:s16], $0x1000  }
0xce: {  	[sflag:s16] =	ssyncset.done $0x0  }
0xcf: {  	[sflag:s16] =	ssyncadd.s32 $0xFFFFF000  }
0xd0: {  	_ =	swait.ge [sflag:s16], $0x1000  }
0xd1: {  	[sflag:s16] =	ssyncset.done $0x0  }
0xd2: {  	[sflag:s16] =	ssyncadd.s32 $0xFFFFF000  }
0xd3: {  	_ =	swait.ge [sflag:s16], $0x1000  }
0xd4: {  	[sflag:s16] =	ssyncset.done $0x0  }
0xd5: {  	[sflag:s16] =	ssyncadd.s32 $0xFFFFF000  }
0xd6: {  	_ =	swait.ge [sflag:s16], $0x1000  }
0xd7: {  	[sflag:s16] =	ssyncset.done $0x0  }
0xd8: {  	[sflag:s16] =	ssyncadd.s32 $0xFFFFF000  }
0xd9: {  	_ =	swait.ge [sflag:s16], $0x1000  }
0xda: {  	[sflag:s16] =	ssyncset.done $0x0  }
0xdb: {  	[sflag:s16] =	ssyncadd.s32 $0xFFFFF000  }
0xdc: {  	_ =	swait.ge [sflag:s16], $0x1000  }
0xdd: {  	[sflag:s16] =	ssyncset.done $0x0  }
0xde: {  	[sflag:s16] =	ssyncadd.s32 $0xFFFFF000  }
0xdf: {  	_ =	swait.ge [sflag:s16], $0x1000  }
0xe0: {  	[sflag:s16] =	ssyncset.done $0x0  }
0xe1: {  	[sflag:s16] =	ssyncadd.s32 $0xFFFFF000  }
0xe2: {  	_ =	swait.ge [sflag:s16], $0x1000  }
0xe3: {  	[sflag:s16] =	ssyncset.done $0x0  }
0xe4: {  	s29 =	simm.s32 $0x0;
	[sflag:s16] =	ssyncadd.s32 $0xFFFFF000  }
0xe5: {  	v0 =	vld [tilespmem:s29+$0x280]  }
0xe6: {  	v1 =	vld [tilespmem:s29+$0x1280];
	_ =	sdelay $0x1  }
0xe7: {  	v2 =	vld [tilespmem:s29+$0x2280];
	_ =	sdelay $0x1  }
0xe8: {  	v3 =	vld [tilespmem:s29+$0x3280]  }
0xe9: {  	v0 =	vadd.f32 v1, v0  }
0xea: {  	v1 =	vld [tilespmem:s29+$0x4280]  }
0xeb: {  	v0 =	vadd.f32 v2, v0  }
0xec: {  	v2 =	vld [tilespmem:s29+$0x5280]  }
0xed: {  	v0 =	vadd.f32 v3, v0  }
0xee: {  	v3 =	vld [tilespmem:s29+$0x6280]  }
0xef: {  	v0 =	vadd.f32 v1, v0  }
0xf0: {  	v1 =	vld [tilespmem:s29+$0x7280]  }
0xf1: {  	v0 =	vadd.f32 v2, v0  }
0xf2: {  	v2 =	vld [tilespmem:s29+$0x8280]  }
0xf3: {  	v0 =	vadd.f32 v3, v0  }
0xf4: {  	v3 =	vld [tilespmem:s29+$0x9280]  }
0xf5: {  	v0 =	vadd.f32 v1, v0  }
0xf6: {  	v1 =	vld [tilespmem:s29+$0xA280]  }
0xf7: {  	v0 =	vadd.f32 v2, v0  }
0xf8: {  	v2 =	vld [tilespmem:s29+$0xB280]  }
0xf9: {  	v0 =	vadd.f32 v3, v0  }
0xfa: {  	v3 =	vld [tilespmem:s29+$0xC280]  }
0xfb: {  	v0 =	vadd.f32 v1, v0  }
0xfc: {  	v1 =	vld [tilespmem:s29+$0xD280]  }
0xfd: {  	v0 =	vadd.f32 v2, v0  }
0xfe: {  	v2 =	vld [tilespmem:s29+$0xE280]  }
0xff: {  	v0 =	vadd.f32 v3, v0  }
0x100: {  	v3 =	vld [tilespmem:s29+$0xF280]  }
0x101: {  	v0 =	vadd.f32 v1, v0  }
0x102: {  	v1 =	vld [tilespmem:s29+$0x10280]  }
0x103: {  	v0 =	vadd.f32 v2, v0  }
0x104: {  	v2 =	vld [tilespmem:s29+$0x11280]  }
0x105: {  	v0 =	vadd.f32 v3, v0  }
0x106: {  	v3 =	vld [tilespmem:s29+$0x12280]  }
0x107: {  	v0 =	vadd.f32 v1, v0  }
0x108: {  	v1 =	vld [tilespmem:s29+$0x13280]  }
0x109: {  	v0 =	vadd.f32 v2, v0;
	_ =	sdelay $0x1  }
0x10a: {  	v0 =	vadd.f32 v3, v0;
	_ =	sdelay $0x1  }
0x10b: {  	v0 =	vadd.f32 v1, v0  }
0x10c: {  	s19 =	simm.s32 $0x14290  }
0x10d: {  	[tilespmem:s19+$0xFFFFFFF0] =	vst v0  }
0x10e: {  	v0 =	vld [tilespmem:s29+$0x290]  }
0x10f: {  	v1 =	vld [tilespmem:s29+$0x1290];
	_ =	sdelay $0x1  }
0x110: {  	v2 =	vld [tilespmem:s29+$0x2290];
	_ =	sdelay $0x1  }
0x111: {  	v3 =	vld [tilespmem:s29+$0x3290]  }
0x112: {  	v0 =	vadd.f32 v1, v0  }
0x113: {  	v1 =	vld [tilespmem:s29+$0x4290]  }
0x114: {  	v0 =	vadd.f32 v2, v0  }
0x115: {  	v2 =	vld [tilespmem:s29+$0x5290]  }
0x116: {  	v0 =	vadd.f32 v3, v0  }
0x117: {  	v3 =	vld [tilespmem:s29+$0x6290]  }
0x118: {  	v0 =	vadd.f32 v1, v0  }
0x119: {  	v1 =	vld [tilespmem:s29+$0x7290]  }
0x11a: {  	v0 =	vadd.f32 v2, v0  }
0x11b: {  	v2 =	vld [tilespmem:s29+$0x8290]  }
0x11c: {  	v0 =	vadd.f32 v3, v0  }
0x11d: {  	v3 =	vld [tilespmem:s29+$0x9290]  }
0x11e: {  	v0 =	vadd.f32 v1, v0  }
0x11f: {  	v1 =	vld [tilespmem:s29+$0xA290]  }
0x120: {  	v0 =	vadd.f32 v2, v0  }
0x121: {  	v2 =	vld [tilespmem:s29+$0xB290]  }
0x122: {  	v0 =	vadd.f32 v3, v0  }
0x123: {  	v3 =	vld [tilespmem:s29+$0xC290]  }
0x124: {  	v0 =	vadd.f32 v1, v0  }
0x125: {  	v1 =	vld [tilespmem:s29+$0xD290]  }
0x126: {  	v0 =	vadd.f32 v2, v0  }
0x127: {  	v2 =	vld [tilespmem:s29+$0xE290]  }
0x128: {  	v0 =	vadd.f32 v3, v0  }
0x129: {  	v3 =	vld [tilespmem:s29+$0xF290]  }
0x12a: {  	v0 =	vadd.f32 v1, v0  }
0x12b: {  	v1 =	vld [tilespmem:s29+$0x10290]  }
0x12c: {  	v0 =	vadd.f32 v2, v0  }
0x12d: {  	v2 =	vld [tilespmem:s29+$0x11290]  }
0x12e: {  	v0 =	vadd.f32 v3, v0  }
0x12f: {  	v3 =	vld [tilespmem:s29+$0x12290]  }
0x130: {  	v0 =	vadd.f32 v1, v0;
	_ =	sdelay $0x1  }
0x131: {  	v1 =	vadd.f32 v2, v0;
	v0 =	vld [tilespmem:s29+$0x13290];
	_ =	sdelay $0x1  }
0x132: {  	s28 =	simm.s32 $0x200;
	s20 =	simm.s32 $0x14290;
	v1 =	vadd.f32 v3, v1  }
.LBB2_2:
0x133: {  	p0 =	sne.s32 s28, $0x3E00  }
0x134: {  	s19 =	sadd.s32 $0x20, s19;
	s29 =	smov.u32 s28;
	s28 =	sadd.s32 $0x200, s28  }
0x135: {  	v0 =	vadd.f32 v0, v1  }
0x136: {  	s29 =	sshra.s32 s29, $0x2  }
0x137: {  	[tilespmem:s20+$0x0] =	vst v0;
	s20 =	smov.u32 s19  }
0x138: {  	v0 =	vld [tilespmem:s29+$0x280]  }
0x139: {  	v1 =	vld [tilespmem:s29+$0x1280];
	_ =	sdelay $0x1  }
0x13a: {  	v2 =	vld [tilespmem:s29+$0x2280];
	_ =	sdelay $0x1  }
0x13b: {  	v3 =	vld [tilespmem:s29+$0x3280]  }
0x13c: {  	v0 =	vadd.f32 v1, v0  }
0x13d: {  	v1 =	vld [tilespmem:s29+$0x4280]  }
0x13e: {  	v0 =	vadd.f32 v2, v0  }
0x13f: {  	v2 =	vld [tilespmem:s29+$0x5280]  }
0x140: {  	v0 =	vadd.f32 v3, v0  }
0x141: {  	v3 =	vld [tilespmem:s29+$0x6280]  }
0x142: {  	v0 =	vadd.f32 v1, v0  }
0x143: {  	v1 =	vld [tilespmem:s29+$0x7280]  }
0x144: {  	v0 =	vadd.f32 v2, v0  }
0x145: {  	v2 =	vld [tilespmem:s29+$0x8280]  }
0x146: {  	v0 =	vadd.f32 v3, v0  }
0x147: {  	v3 =	vld [tilespmem:s29+$0x9280]  }
0x148: {  	v0 =	vadd.f32 v1, v0  }
0x149: {  	v1 =	vld [tilespmem:s29+$0xA280]  }
0x14a: {  	v0 =	vadd.f32 v2, v0  }
0x14b: {  	v2 =	vld [tilespmem:s29+$0xB280]  }
0x14c: {  	v0 =	vadd.f32 v3, v0  }
0x14d: {  	v3 =	vld [tilespmem:s29+$0xC280]  }
0x14e: {  	v0 =	vadd.f32 v1, v0  }
0x14f: {  	v1 =	vld [tilespmem:s29+$0xD280]  }
0x150: {  	v0 =	vadd.f32 v2, v0  }
0x151: {  	v2 =	vld [tilespmem:s29+$0xE280]  }
0x152: {  	v0 =	vadd.f32 v3, v0  }
0x153: {  	v3 =	vld [tilespmem:s29+$0xF280]  }
0x154: {  	v0 =	vadd.f32 v1, v0  }
0x155: {  	v1 =	vld [tilespmem:s29+$0x10280]  }
0x156: {  	v0 =	vadd.f32 v2, v0  }
0x157: {  	v2 =	vld [tilespmem:s29+$0x11280]  }
0x158: {  	v0 =	vadd.f32 v3, v0  }
0x159: {  	v3 =	vld [tilespmem:s29+$0x12280]  }
0x15a: {  	v0 =	vadd.f32 v1, v0  }
0x15b: {  	v1 =	vld [tilespmem:s29+$0x13280]  }
0x15c: {  	v0 =	vadd.f32 v2, v0;
	_ =	sdelay $0x1  }
0x15d: {  	v0 =	vadd.f32 v3, v0;
	_ =	sdelay $0x1  }
0x15e: {  	v0 =	vadd.f32 v1, v0;
	_ =	sdelay $0x1  }
0x15f: {  	[tilespmem:s19+$0xFFFFFFF0] =	vst v0  }
0x160: {  	v0 =	vld [tilespmem:s29+$0x290]  }
0x161: {  	v1 =	vld [tilespmem:s29+$0x1290];
	_ =	sdelay $0x1  }
0x162: {  	v2 =	vld [tilespmem:s29+$0x2290]  }
0x163: {  	v3 =	vld [tilespmem:s29+$0x3290];
	_ =	sdelay $0x1  }
0x164: {  	v0 =	vadd.f32 v1, v0;
	v1 =	vld [tilespmem:s29+$0x4290];
	_ =	sdelay $0x1  }
0x165: {  	v0 =	vadd.f32 v2, v0;
	v2 =	vld [tilespmem:s29+$0x5290];
	_ =	sdelay $0x1  }
0x166: {  	v0 =	vadd.f32 v3, v0;
	v3 =	vld [tilespmem:s29+$0x6290];
	_ =	sdelay $0x1  }
0x167: {  	v0 =	vadd.f32 v1, v0;
	v1 =	vld [tilespmem:s29+$0x7290];
	_ =	sdelay $0x1  }
0x168: {  	v0 =	vadd.f32 v2, v0;
	v2 =	vld [tilespmem:s29+$0x8290];
	_ =	sdelay $0x1  }
0x169: {  	v0 =	vadd.f32 v3, v0;
	v3 =	vld [tilespmem:s29+$0x9290];
	_ =	sdelay $0x1  }
0x16a: {  	v0 =	vadd.f32 v1, v0;
	v1 =	vld [tilespmem:s29+$0xA290];
	_ =	sdelay $0x1  }
0x16b: {  	v0 =	vadd.f32 v2, v0;
	v2 =	vld [tilespmem:s29+$0xB290];
	_ =	sdelay $0x1  }
0x16c: {  	v0 =	vadd.f32 v3, v0;
	v3 =	vld [tilespmem:s29+$0xC290];
	_ =	sdelay $0x1  }
0x16d: {  	v0 =	vadd.f32 v1, v0;
	v1 =	vld [tilespmem:s29+$0xD290];
	_ =	sdelay $0x1  }
0x16e: {  	v0 =	vadd.f32 v2, v0;
	v2 =	vld [tilespmem:s29+$0xE290];
	_ =	sdelay $0x1  }
0x16f: {  	v0 =	vadd.f32 v3, v0;
	v3 =	vld [tilespmem:s29+$0xF290];
	_ =	sdelay $0x1  }
0x170: {  	v0 =	vadd.f32 v1, v0;
	v1 =	vld [tilespmem:s29+$0x10290];
	_ =	sdelay $0x1  }
0x171: {  	v0 =	vadd.f32 v2, v0;
	v2 =	vld [tilespmem:s29+$0x11290];
	_ =	sdelay $0x1  }
0x172: {  	v0 =	vadd.f32 v3, v0;
	v3 =	vld [tilespmem:s29+$0x12290];
	_ =	sdelay $0x1  }
.Ltmp0:
0x173: {  	v1 =	vadd.f32 v1, v0;
	v0 =	vld [tilespmem:s29+$0x13290];
	(pc) =	sbr.rel @p0 .LBB2_2-.Ltmp0, $3  }
0x174: {  	_ = 	snop  }
0x175: {  	v1 =	vadd.f32 v2, v1;
	_ =	sdelay $0x1  }
0x176: {  	v1 =	vadd.f32 v3, v1  }
0x177: {  	_ = 	snop  }
0x178: {  	s18 =	sadd.s32 $0x1, s18;
	v0 =	vadd.f32 v0, v1  }
0x179: {  	p0 =	sne.s32 s18, s25  }
.Ltmp1:
0x17a: {  	s19 =	simm.s32 $0x14280;
	[tilespmem:s20+$0x0] =	vst v0;
	(pc) =	sbr.rel @p0 .LBB2_1-.Ltmp1, $4  }
0x17b: {  	[hbm4b:s24+s3] =	stream.linear.scatter [tilespmem:s19], [sflag:$0x2], $0x400, $0x38;
	[tilespmem:$0x14680] =	vst v63  }
0x17c: {  	_ =	swait.ge [sflag:s17], $0x400  }
0x17d: {  	[sflag:s17] =	ssyncset.done $0x0  }
0x17e: {  	[sflag:s17] =	ssyncadd.s32 $0xFFFFFC00  }
0x17f: {  	_ =	sfence.sel $0x180000  }
0x180: {  	[bflag:$0x0] =	sbarrier.arrive $0xFFFF  }
0x181: {  	_ =	strace $0x90000047  }
0x182: {  	s0 =	stileid.u32;
	[bflag:$0x2] =	sbarrier.arrive $0xFFFF  }
0x183: {  	p0 =	sne.s32 s0, $0x0;
	s0 =	rddreg [dreg:$0x2]  }
0x184: {  	s0 =	sadd.s32 @!p0 $0x100000, s0  }
0x185: {  	[sflag:s0] =	ssyncadd.tile.s32 @!p0 $0x1;
	_ =	shalt  }
.Lfunc_end2:
_tile_overlayer_lowered:
.L_overlay_start_2:
0x186: {  	(tag) =	ssettag $0x2  }
0x187: {  	s0 =	rddreg [dreg:$0x0];
	s2 =	stileid.u32  }
0x188: {  	s1 =	rddreg [dreg:$0x1];
	p0 =	sne.s32 s2, $0x0  }
0x189: {  	s3 =	rddreg [dreg:$0x2];
	[bflag:$0x3] =	sbarrier.arrive $0xFFFF;
	s2 =	simm.s32 @!p0 $0x1C02  }
0x18a: {  	[timem:s3], [sflag:s2] =	dma.local @!p0 [hbm:s0], s1  }
0x18b: {  	s0 =	simm.s32 @!p0 $0x2  }
0x18c: {  	_ =	swait.ge @!p0 [sflag:s0], s1  }
0x18d: {  	s1 =	ssub.s32 @!p0 $0x0, s1;
	[sflag:s0] =	ssyncset.done @!p0 $0x0  }
0x18e: {  	[sflag:s0] =	ssyncadd.s32 @!p0 s1  }
0x18f: {  	[bflag:$0x3] =	sbarrier.arrive $0xFFFF  }
0x190: {  	_ =	shalt  }

</sc_bundles>
